<compile_context>
chip_gen: v7x
topology: tpu7x:2x2x1
jax: 0.10.2.dev20260603
libtpu: 0.0.44.dev20260713+nightly
codegen_flags: <defaults>
</compile_context>

<pallas_src>
import functools

import jax
import jax.numpy as jnp
from jax import lax
from jax.experimental import pallas as pl
from jax.experimental.pallas import tpu as pltpu
from jax.experimental.pallas import tpu_sc as plsc

KNN = 32
TOPN = KNN + 2
NPTS = 4096
NDIM = 512
RBLK = 1024
NCHUNK = NPTS // 128
RSEL = 4


def _bitonic_merge(a, b, keep):
    la, lb = len(a), len(b)
    n = 1
    while n < la + lb:
        n *= 2
    seq = list(a) + [None] * (n - la - lb) + list(reversed(b))
    d = n // 2
    while d >= 1:
        for i in range(n):
            if (i & d) == 0 and i + d < n:
                x, y = seq[i], seq[i + d]
                if y is None:
                    continue
                if x is None:
                    seq[i], seq[i + d] = y, None
                    continue
                seq[i] = jnp.minimum(x, y)
                seq[i + d] = jnp.maximum(x, y)
        d //= 2
    return seq[:keep]
NWORK = 32
RPW = NPTS // NWORK
LANES = 16


def _topk_kernel(xr_ref, xf_ref, h1_ref, h2_ref, slog_ref, ridx_ref):
    i = pl.program_id(0)
    xr = xr_ref[...]
    xf = xf_ref[...]
    x2r = jnp.sum(xr * xr, axis=1, keepdims=True)
    x2f = jnp.sum(xf * xf, axis=1)[None, :]
    neg2dot = lax.dot_general(xr * -2.0, xf, (((1,), (1,)), ((), ())),
                              preferred_element_type=jnp.float32)
    d2 = jnp.maximum((x2r + x2f) + neg2dot, 1e-12)

    bits = lax.bitcast_convert_type(d2, jnp.int32)
    fbig = lax.bitcast_convert_type(jnp.int32(0x7F7FFFFF), jnp.float32)
    ks = [lax.bitcast_convert_type(
              (bits[:, c * 128:(c + 1) * 128] & jnp.int32(~31))
              | jnp.int32(c), jnp.float32)
          for c in range(NCHUNK)]

    streams = [[k] for k in ks]
    while len(streams) > 1:
        streams = [
            _bitonic_merge(streams[j], streams[j + 1], RSEL)
            for j in range(0, len(streams), 2)
        ]
    cs = streams[0]
    while len(cs) < RSEL:
        cs.append(jnp.full((RBLK, 128), fbig, jnp.float32))

    laneio = lax.broadcasted_iota(
        jnp.int32, (RBLK, 128), 1).astype(jnp.float32)
    f128 = jnp.float32(128.0)
    vals, cols = [], []
    for _ in range(TOPN):
        mk = jnp.min(cs[0], axis=1, keepdims=True)
        eq = cs[0] == mk
        l = jnp.min(jnp.where(eq, laneio, f128), axis=1, keepdims=True)
        sel = laneio == l
        for r in range(RSEL - 1):
            cs[r] = jnp.where(sel, cs[r + 1], cs[r])
        cs[RSEL - 1] = jnp.where(sel, fbig, cs[RSEL - 1])
        vals.append(mk)
        cols.append(l)

    kcat = lax.bitcast_convert_type(
        jnp.concatenate(vals, axis=1), jnp.int32)
    v2 = lax.bitcast_convert_type(kcat & jnp.int32(~31), jnp.float32)
    lcat = jnp.concatenate(cols, axis=1).astype(jnp.int32)
    c = (kcat & jnp.int32(31)) * 128 + lcat
    v = jnp.sqrt(v2)

    rowi = i * RBLK + lax.broadcasted_iota(jnp.int32, (RBLK, 1), 0)
    tio = lax.broadcasted_iota(jnp.int32, (RBLK, TOPN), 1)
    p = jnp.min(jnp.where(c == rowi, tio, TOPN), axis=1, keepdims=True)

    t33 = lax.broadcasted_iota(jnp.int32, (RBLK, TOPN - 1), 1)
    am_ = jnp.where(t33 < p, v[:, :TOPN - 1], v[:, 1:TOPN])
    t32 = lax.broadcasted_iota(jnp.int32, (RBLK, KNN), 1)
    cm_ = jnp.where(t32 < p, c[:, :KNN], c[:, 1:KNN + 1])

    a_k = am_[:, TOPN - 2]
    slog_ref[...] = jnp.log(a_k)
    lid = -jnp.float32(KNN) / jnp.sum(
        jnp.log(v[:, :KNN] / v[:, KNN:KNN + 1] + 1e-4), axis=1)
    h1_ref[...] = lid
    h2_ref[...] = lid * jnp.log(v[:, KNN])
    ridx_ref[...] = cm_ - (cm_ > rowi).astype(jnp.int32)


def _topk_call(features):
    grid = (NPTS // RBLK,)
    return pl.pallas_call(
        _topk_kernel,
        grid=grid,
        in_specs=[
            pl.BlockSpec((RBLK, NDIM), lambda i: (i, 0)),
            pl.BlockSpec((NPTS, NDIM), lambda i: (0, 0)),
        ],
        out_specs=[
            pl.BlockSpec((RBLK,), lambda i: (i,)),
            pl.BlockSpec((RBLK,), lambda i: (i,)),
            pl.BlockSpec((RBLK,), lambda i: (i,)),
            pl.BlockSpec((RBLK, KNN), lambda i: (i, 0)),
        ],
        out_shape=[
            jax.ShapeDtypeStruct((NPTS,), jnp.float32),
            jax.ShapeDtypeStruct((NPTS,), jnp.float32),
            jax.ShapeDtypeStruct((NPTS,), jnp.float32),
            jax.ShapeDtypeStruct((NPTS, KNN), jnp.int32),
        ],
    )(features, features)


def _score_kernel(h1_hbm, h2_hbm, slog_hbm, ridx_hbm, out_hbm,
                  h1_v, h2_v, slog_v, idx_v, out_v):
    wid = lax.axis_index("s") * 2 + lax.axis_index("c")
    base = wid * RPW
    pltpu.sync_copy(h1_hbm, h1_v)
    pltpu.sync_copy(h2_hbm, h2_v)
    pltpu.sync_copy(slog_hbm.at[pl.ds(base, RPW)], slog_v)
    pltpu.sync_copy(ridx_hbm.at[pl.ds(base * KNN, RPW * KNN)], idx_v)

    lane = lax.iota(jnp.int32, LANES)
    inv_k = jnp.float32(1.0 / KNN)
    for g in range(RPW // LANES):
        rows = g * LANES + lane

        def body(j, acc):
            a1, a2 = acc
            pos = rows * KNN + j
            nbr = plsc.load_gather(idx_v, [pos])
            a1 = a1 + plsc.load_gather(h1_v, [nbr])
            a2 = a2 + plsc.load_gather(h2_v, [nbr])
            return (a1, a2)

        zero = jnp.zeros((LANES,), jnp.float32)
        s1, s2 = lax.fori_loop(0, KNN, body, (zero, zero))
        sl = slog_v[pl.ds(g * LANES, LANES)]
        sc = sl * (s1 * inv_k) - s2 * inv_k
        sc = jnp.where(sc != sc, jnp.float32(1000.0), sc)
        sc = jnp.where(sc == jnp.inf, jnp.float32(1000.0), sc)
        sc = jnp.where(sc == -jnp.inf, jnp.float32(0.0), sc)
        out_v[pl.ds(g * LANES, LANES)] = sc

    pltpu.sync_copy(out_v, out_hbm.at[pl.ds(base, RPW)])


def _score_call(h1, h2, slog, ridx_flat):
    mesh = plsc.VectorSubcoreMesh(core_axis_name="c", subcore_axis_name="s")
    kfn = functools.partial(
        pl.kernel,
        mesh=mesh,
        compiler_params=pltpu.CompilerParams(needs_layout_passes=False),
        out_type=jax.ShapeDtypeStruct((NPTS,), jnp.float32),
        scratch_types=[
            pltpu.VMEM((NPTS,), jnp.float32),
            pltpu.VMEM((NPTS,), jnp.float32),
            pltpu.VMEM((RPW,), jnp.float32),
            pltpu.VMEM((RPW * KNN,), jnp.int32),
            pltpu.VMEM((RPW,), jnp.float32),
        ],
    )(_score_kernel)
    return kfn(h1, h2, slog, ridx_flat)


def kernel(features):
    h1, h2, slog, ridx = _topk_call(features)
    return _score_call(h1, h2, slog, ridx.reshape(-1))

# --- scband reference (transcript-rebuilt; emitter-appended) ---
"""Pipeline reference for scband-daodetector-41721312313533 (READ-ONLY COPY).

The authoritative reference and input builder live on the scoring server;
editing this copy changes nothing except your own understanding.
"""

import jax, jax.numpy as jnp
import numpy as np

K = 32

def _cdist(x, y):
    # torch.cdist(p=2) via matmul expansion (use_mm_for_euclid_dist path)
    x2 = jnp.sum(x * x, axis=1, keepdims=True)
    y2 = jnp.sum(y * y, axis=1, keepdims=True)
    d2 = x2 + y2.T - 2.0 * (x @ y.T)
    return jnp.sqrt(jnp.maximum(d2, 1e-12))

def setup_inputs(seed: int = 0) -> dict:
    key = jax.random.key(seed)
    features = jax.random.normal(key, (4096, 512), dtype=jnp.float32)
    return {"features": features}

def reference(features):
    k = K
    b = features.shape[0]
    # d = cdist(vision_features, full_rank_vision_reference); remove self-distance
    d = _cdist(features, features)
    i = jnp.arange(b)[:, None]
    j = jnp.arange(b - 1)[None, :]
    # row i keeps columns [0..i-1, i+1..b-1] (diagonal mask, rank 0 offset)
    cols = j + (j >= i).astype(jnp.int32)
    r = jnp.take_along_axis(d, cols, axis=1)  # [b, b-1]
    a = jnp.sort(r, axis=1)
    idx = jnp.argsort(r, axis=1)
    # lids computed in original forward (mle) but not used for the returned scores
    lids = -k / jnp.sum(jnp.log(a[:, :k] / a[:, k:k + 1] + 0.0001), axis=1)
    # full reference-vs-reference distances (no diagonal removal, faithful to original)
    full_d = _cdist(features, features)
    a_full_d = jnp.sort(full_d, axis=1)
    idx_k = idx[:, :k]
    full_rank_lids = -k / jnp.sum(jnp.log(a_full_d[:, :k] / a_full_d[:, k:k + 1] + 0.0001), axis=1)
    # torch: stack([index_select(a_full_d, 0, row) for row in idx_k])[:, :, k]
    #  == a_full_d[idx_k, k] == gather of column k
    d_k = a_full_d[:, k][idx_k]            # [b, k]
    lid_k = full_rank_lids[idx_k]          # [b, k]
    scores = lid_k * jnp.log(a[:, k][:, None] / d_k)
    scores = jnp.mean(scores, axis=1)
    scores = jnp.nan_to_num(scores, nan=1000.0, posinf=1000.0, neginf=0.0)
    return scores

if __name__ == "__main__":
    import jax
    _d = setup_inputs()
    print(jax.jit(kernel)(*tuple(_d.values())))

</pallas_src>

<mosaic_0001>
#map = affine_map<(d0, d1) -> (0)>
module attributes {stable_mosaic.version = 14 : i64} {
  func.func @_score_kernel(%arg0: i32, %arg1: i32, %arg2: memref<4096xf32, #tpu.memory_space<hbm>>, %arg3: memref<4096xf32, #tpu.memory_space<hbm>>, %arg4: memref<4096xf32, #tpu.memory_space<hbm>>, %arg5: memref<131072xi32, #tpu.memory_space<hbm>>, %arg6: memref<4096xf32, #tpu.memory_space<hbm>>, %arg7: memref<4096xf32, #tpu.memory_space<vmem>>, %arg8: memref<4096xf32, #tpu.memory_space<vmem>>, %arg9: memref<128xf32, #tpu.memory_space<vmem>>, %arg10: memref<4096xi32, #tpu.memory_space<vmem>>, %arg11: memref<128xf32, #tpu.memory_space<vmem>>) attributes {dimension_semantics = [#tpu.dimension_semantics<core_parallel>, #tpu.dimension_semantics<subcore_parallel>], iteration_bounds = array<i64: 2, 16>, scalar_prefetch = 0 : i64, scratch_operands = 5 : i64, tpu.core_type = #tpu.core_type<sc_vector_subcore>, window_params = [{transform_indices = #map}, {transform_indices = #map}, {transform_indices = #map}, {transform_indices = #map}, {transform_indices = #map}]} {
    %mul3A = arith.constant 2 : i32
    %mul3A_0 = arith.muli %arg1, %mul3A : i32
    %add3A = arith.addi %mul3A_0, %arg0 : i32
    %mul3A_1 = arith.constant 128 : i32
    %mul3A_2 = arith.muli %add3A, %mul3A_1 : i32
    "tpu.region"() ({
      %run_scoped3A = tpu.sem_alloc : memref<!tpu.dma_semaphore, #tpu.memory_space<semaphore_mem>>
      tpu.enqueue_dma source(%arg2 : memref<4096xf32, #tpu.memory_space<hbm>>) target(%arg7 : memref<4096xf32, #tpu.memory_space<vmem>>) target_semaphore(%run_scoped3A : memref<!tpu.dma_semaphore, #tpu.memory_space<semaphore_mem>>)
      tpu.wait_dma2 semaphore(%run_scoped3A : memref<!tpu.dma_semaphore, #tpu.memory_space<semaphore_mem>>) src(%arg2 : memref<4096xf32, #tpu.memory_space<hbm>>) dst(%arg7 : memref<4096xf32, #tpu.memory_space<vmem>>)
      tpu.yield
    }) : () -> ()
    "tpu.region"() ({
      %run_scoped3A = tpu.sem_alloc : memref<!tpu.dma_semaphore, #tpu.memory_space<semaphore_mem>>
      tpu.enqueue_dma source(%arg3 : memref<4096xf32, #tpu.memory_space<hbm>>) target(%arg8 : memref<4096xf32, #tpu.memory_space<vmem>>) target_semaphore(%run_scoped3A : memref<!tpu.dma_semaphore, #tpu.memory_space<semaphore_mem>>)
      tpu.wait_dma2 semaphore(%run_scoped3A : memref<!tpu.dma_semaphore, #tpu.memory_space<semaphore_mem>>) src(%arg3 : memref<4096xf32, #tpu.memory_space<hbm>>) dst(%arg8 : memref<4096xf32, #tpu.memory_space<vmem>>)
      tpu.yield
    }) : () -> ()
    "tpu.region"() ({
      %run_scoped3A = tpu.sem_alloc : memref<!tpu.dma_semaphore, #tpu.memory_space<semaphore_mem>>
      %dma_start3A = tpu.memref_slice %arg4[%mul3A_2] : memref<4096xf32, #tpu.memory_space<hbm>> -> memref<128xf32, #tpu.memory_space<hbm>>
      %dma_start3A_308 = tpu.memref_slice %arg4[%mul3A_2] : memref<4096xf32, #tpu.memory_space<hbm>> -> memref<128xf32, #tpu.memory_space<hbm>>
      tpu.enqueue_dma source(%dma_start3A_308 : memref<128xf32, #tpu.memory_space<hbm>>) target(%arg9 : memref<128xf32, #tpu.memory_space<vmem>>) target_semaphore(%run_scoped3A : memref<!tpu.dma_semaphore, #tpu.memory_space<semaphore_mem>>)
      %dma_wait3A = tpu.memref_slice %arg4[%mul3A_2] : memref<4096xf32, #tpu.memory_space<hbm>> -> memref<128xf32, #tpu.memory_space<hbm>>
      %dma_wait3A_309 = tpu.memref_slice %arg4[%mul3A_2] : memref<4096xf32, #tpu.memory_space<hbm>> -> memref<128xf32, #tpu.memory_space<hbm>>
      tpu.wait_dma2 semaphore(%run_scoped3A : memref<!tpu.dma_semaphore, #tpu.memory_space<semaphore_mem>>) src(%dma_wait3A_309 : memref<128xf32, #tpu.memory_space<hbm>>) dst(%arg9 : memref<128xf32, #tpu.memory_space<vmem>>)
      tpu.yield
    }) : () -> ()
    %mul3A_3 = arith.constant 32 : i32
    %mul3A_4 = arith.muli %mul3A_2, %mul3A_3 : i32
    "tpu.region"() ({
      %run_scoped3A = tpu.sem_alloc : memref<!tpu.dma_semaphore, #tpu.memory_space<semaphore_mem>>
      %dma_start3A = tpu.memref_slice %arg5[%mul3A_4] : memref<131072xi32, #tpu.memory_space<hbm>> -> memref<4096xi32, #tpu.memory_space<hbm>>
      %dma_start3A_308 = tpu.memref_slice %arg5[%mul3A_4] : memref<131072xi32, #tpu.memory_space<hbm>> -> memref<4096xi32, #tpu.memory_space<hbm>>
      tpu.enqueue_dma source(%dma_start3A_308 : memref<4096xi32, #tpu.memory_space<hbm>>) target(%arg10 : memref<4096xi32, #tpu.memory_space<vmem>>) target_semaphore(%run_scoped3A : memref<!tpu.dma_semaphore, #tpu.memory_space<semaphore_mem>>)
      %dma_wait3A = tpu.memref_slice %arg5[%mul3A_4] : memref<131072xi32, #tpu.memory_space<hbm>> -> memref<4096xi32, #tpu.memory_space<hbm>>
      %dma_wait3A_309 = tpu.memref_slice %arg5[%mul3A_4] : memref<131072xi32, #tpu.memory_space<hbm>> -> memref<4096xi32, #tpu.memory_space<hbm>>
      tpu.wait_dma2 semaphore(%run_scoped3A : memref<!tpu.dma_semaphore, #tpu.memory_space<semaphore_mem>>) src(%dma_wait3A_309 : memref<4096xi32, #tpu.memory_space<hbm>>) dst(%arg10 : memref<4096xi32, #tpu.memory_space<vmem>>)
      tpu.yield
    }) : () -> ()
    %iota3A = tpu.iota {dimensions = array<i32: 0>} : vector<16xi32>
    %add3A_5 = arith.constant 0 : i32
    %add3A_6 = vector.broadcast %add3A_5 : i32 to vector<16xi32>
    %add3A_7 = arith.addi %add3A_6, %iota3A : vector<16xi32>
    %broadcast_in_dim3A = arith.constant 0.000000e+00 : f32
    %broadcast_in_dim3A_8 = vector.broadcast %broadcast_in_dim3A : f32 to vector<16xf32>
    %scan3A = arith.constant 0 : i32
    %scan3A_9 = arith.constant 32 : i32
    %scan3A_10 = arith.addi %scan3A, %scan3A_9 : i32
    %scan3A_11 = arith.constant 1 : i32
    %scan3A_12:2 = scf.for %scan3A_308 = %scan3A to %scan3A_10 step %scan3A_11 iter_args(%scan3A_309 = %broadcast_in_dim3A_8, %scan3A_310 = %broadcast_in_dim3A_8) -> (vector<16xf32>, vector<16xf32>)  : i32 {
      %mul3A_311 = arith.constant 32 : i32
      %mul3A_312 = vector.broadcast %mul3A_311 : i32 to vector<16xi32>
      %mul3A_313 = arith.muli %add3A_7, %mul3A_312 : vector<16xi32>
      %add3A_314 = vector.broadcast %scan3A_308 : i32 to vector<16xi32>
      %add3A_315 = arith.addi %mul3A_313, %add3A_314 : vector<16xi32>
      %gather3A = tpu.vector_load_idx %arg10[%add3A_315] : memref<4096xi32, #tpu.memory_space<vmem>>[vector<16xi32>], vector<16xi32>,
      %gather3A_316 = tpu.vector_load_idx %arg7[%gather3A] : memref<4096xf32, #tpu.memory_space<vmem>>[vector<16xi32>], vector<16xf32>,
      %add3A_317 = arith.addf %scan3A_309, %gather3A_316 : vector<16xf32>
      %gather3A_318 = tpu.vector_load_idx %arg8[%gather3A] : memref<4096xf32, #tpu.memory_space<vmem>>[vector<16xi32>], vector<16xf32>,
      %add3A_319 = arith.addf %scan3A_310, %gather3A_318 : vector<16xf32>
      scf.yield %add3A_317, %add3A_319 : vector<16xf32>, vector<16xf32>
    }
    %scan3A_13 = arith.constant 32 : i32
    %get3A = arith.constant 0 : index
    %get3A_14 = tpu.vector_load %arg9[%get3A] {strides = array<i32>} : memref<128xf32, #tpu.memory_space<vmem>>, vector<16xf32>,
    %mul3A_15 = arith.constant 3.125000e-02 : f32
    %mul3A_16 = vector.broadcast %mul3A_15 : f32 to vector<16xf32>
    %mul3A_17 = arith.mulf %scan3A_12#0, %mul3A_16 : vector<16xf32>
    %mul3A_18 = arith.mulf %get3A_14, %mul3A_17 : vector<16xf32>
    %mul3A_19 = arith.constant 3.125000e-02 : f32
    %mul3A_20 = vector.broadcast %mul3A_19 : f32 to vector<16xf32>
    %mul3A_21 = arith.mulf %scan3A_12#1, %mul3A_20 : vector<16xf32>
    %sub3A = arith.subf %mul3A_18, %mul3A_21 : vector<16xf32>
    %ne3A = arith.cmpf one, %sub3A, %sub3A : vector<16xf32>
    %jit3A = arith.constant 1.000000e+03 : f32
    %broadcast_in_dim3A_22 = vector.broadcast %jit3A : f32 to vector<16xf32>
    %select_n3A = arith.select %ne3A, %broadcast_in_dim3A_22, %sub3A : vector<16xi1>, vector<16xf32>
    %eq3A = arith.constant 0x7F800000 : f32
    %eq3A_23 = vector.broadcast %eq3A : f32 to vector<16xf32>
    %eq3A_24 = arith.cmpf oeq, %select_n3A, %eq3A_23 : vector<16xf32>
    %jit3A_25 = arith.constant 1.000000e+03 : f32
    %broadcast_in_dim3A_26 = vector.broadcast %jit3A_25 : f32 to vector<16xf32>
    %select_n3A_27 = arith.select %eq3A_24, %broadcast_in_dim3A_26, %select_n3A : vector<16xi1>, vector<16xf32>
    %eq3A_28 = arith.constant 0xFF800000 : f32
    %eq3A_29 = vector.broadcast %eq3A_28 : f32 to vector<16xf32>
    %eq3A_30 = arith.cmpf oeq, %select_n3A_27, %eq3A_29 : vector<16xf32>
    %jit3A_31 = arith.constant 0.000000e+00 : f32
    %broadcast_in_dim3A_32 = vector.broadcast %jit3A_31 : f32 to vector<16xf32>
    %select_n3A_33 = arith.select %eq3A_30, %broadcast_in_dim3A_32, %select_n3A_27 : vector<16xi1>, vector<16xf32>
    %swap3A = arith.constant 0 : index
    %swap3A_34 = tpu.vector_load %arg11[%swap3A] {strides = array<i32>} : memref<128xf32, #tpu.memory_space<vmem>>, vector<16xf32>,
    tpu.vector_store %arg11[%swap3A], %select_n3A_33 {strides = array<i32>} : memref<128xf32, #tpu.memory_space<vmem>>, vector<16xf32>,
    %add3A_35 = arith.constant 16 : i32
    %add3A_36 = vector.broadcast %add3A_35 : i32 to vector<16xi32>
    %add3A_37 = arith.addi %add3A_36, %iota3A : vector<16xi32>
    %broadcast_in_dim3A_38 = arith.constant 0.000000e+00 : f32
    %broadcast_in_dim3A_39 = vector.broadcast %broadcast_in_dim3A_38 : f32 to vector<16xf32>
    %scan3A_40 = arith.constant 0 : i32
    %scan3A_41 = arith.constant 32 : i32
    %scan3A_42 = arith.addi %scan3A_40, %scan3A_41 : i32
    %scan3A_43 = arith.constant 1 : i32
    %scan3A_44:2 = scf.for %scan3A_308 = %scan3A_40 to %scan3A_42 step %scan3A_43 iter_args(%scan3A_309 = %broadcast_in_dim3A_39, %scan3A_310 = %broadcast_in_dim3A_39) -> (vector<16xf32>, vector<16xf32>)  : i32 {
      %mul3A_311 = arith.constant 32 : i32
      %mul3A_312 = vector.broadcast %mul3A_311 : i32 to vector<16xi32>
      %mul3A_313 = arith.muli %add3A_37, %mul3A_312 : vector<16xi32>
      %add3A_314 = vector.broadcast %scan3A_308 : i32 to vector<16xi32>
      %add3A_315 = arith.addi %mul3A_313, %add3A_314 : vector<16xi32>
      %gather3A = tpu.vector_load_idx %arg10[%add3A_315] : memref<4096xi32, #tpu.memory_space<vmem>>[vector<16xi32>], vector<16xi32>,
      %gather3A_316 = tpu.vector_load_idx %arg7[%gather3A] : memref<4096xf32, #tpu.memory_space<vmem>>[vector<16xi32>], vector<16xf32>,
      %add3A_317 = arith.addf %scan3A_309, %gather3A_316 : vector<16xf32>
      %gather3A_318 = tpu.vector_load_idx %arg8[%gather3A] : memref<4096xf32, #tpu.memory_space<vmem>>[vector<16xi32>], vector<16xf32>,
      %add3A_319 = arith.addf %scan3A_310, %gather3A_318 : vector<16xf32>
      scf.yield %add3A_317, %add3A_319 : vector<16xf32>, vector<16xf32>
    }
    %scan3A_45 = arith.constant 32 : i32
    %get3A_46 = arith.constant 16 : index
    %get3A_47 = tpu.vector_load %arg9[%get3A_46] {strides = array<i32>} : memref<128xf32, #tpu.memory_space<vmem>>, vector<16xf32>,
    %mul3A_48 = arith.constant 3.125000e-02 : f32
    %mul3A_49 = vector.broadcast %mul3A_48 : f32 to vector<16xf32>
    %mul3A_50 = arith.mulf %scan3A_44#0, %mul3A_49 : vector<16xf32>
    %mul3A_51 = arith.mulf %get3A_47, %mul3A_50 : vector<16xf32>
    %mul3A_52 = arith.constant 3.125000e-02 : f32
    %mul3A_53 = vector.broadcast %mul3A_52 : f32 to vector<16xf32>
    %mul3A_54 = arith.mulf %scan3A_44#1, %mul3A_53 : vector<16xf32>
    %sub3A_55 = arith.subf %mul3A_51, %mul3A_54 : vector<16xf32>
    %ne3A_56 = arith.cmpf one, %sub3A_55, %sub3A_55 : vector<16xf32>
    %jit3A_57 = arith.constant 1.000000e+03 : f32
    %broadcast_in_dim3A_58 = vector.broadcast %jit3A_57 : f32 to vector<16xf32>
    %select_n3A_59 = arith.select %ne3A_56, %broadcast_in_dim3A_58, %sub3A_55 : vector<16xi1>, vector<16xf32>
    %eq3A_60 = arith.constant 0x7F800000 : f32
    %eq3A_61 = vector.broadcast %eq3A_60 : f32 to vector<16xf32>
    %eq3A_62 = arith.cmpf oeq, %select_n3A_59, %eq3A_61 : vector<16xf32>
    %jit3A_63 = arith.constant 1.000000e+03 : f32
    %broadcast_in_dim3A_64 = vector.broadcast %jit3A_63 : f32 to vector<16xf32>
    %select_n3A_65 = arith.select %eq3A_62, %broadcast_in_dim3A_64, %select_n3A_59 : vector<16xi1>, vector<16xf32>
    %eq3A_66 = arith.constant 0xFF800000 : f32
    %eq3A_67 = vector.broadcast %eq3A_66 : f32 to vector<16xf32>
    %eq3A_68 = arith.cmpf oeq, %select_n3A_65, %eq3A_67 : vector<16xf32>
    %jit3A_69 = arith.constant 0.000000e+00 : f32
    %broadcast_in_dim3A_70 = vector.broadcast %jit3A_69 : f32 to vector<16xf32>
    %select_n3A_71 = arith.select %eq3A_68, %broadcast_in_dim3A_70, %select_n3A_65 : vector<16xi1>, vector<16xf32>
    %swap3A_72 = arith.constant 16 : index
    %swap3A_73 = tpu.vector_load %arg11[%swap3A_72] {strides = array<i32>} : memref<128xf32, #tpu.memory_space<vmem>>, vector<16xf32>,
    tpu.vector_store %arg11[%swap3A_72], %select_n3A_71 {strides = array<i32>} : memref<128xf32, #tpu.memory_space<vmem>>, vector<16xf32>,
    %add3A_74 = arith.constant 32 : i32
    %add3A_75 = vector.broadcast %add3A_74 : i32 to vector<16xi32>
    %add3A_76 = arith.addi %add3A_75, %iota3A : vector<16xi32>
    %broadcast_in_dim3A_77 = arith.constant 0.000000e+00 : f32
    %broadcast_in_dim3A_78 = vector.broadcast %broadcast_in_dim3A_77 : f32 to vector<16xf32>
    %scan3A_79 = arith.constant 0 : i32
    %scan3A_80 = arith.constant 32 : i32
    %scan3A_81 = arith.addi %scan3A_79, %scan3A_80 : i32
    %scan3A_82 = arith.constant 1 : i32
    %scan3A_83:2 = scf.for %scan3A_308 = %scan3A_79 to %scan3A_81 step %scan3A_82 iter_args(%scan3A_309 = %broadcast_in_dim3A_78, %scan3A_310 = %broadcast_in_dim3A_78) -> (vector<16xf32>, vector<16xf32>)  : i32 {
      %mul3A_311 = arith.constant 32 : i32
      %mul3A_312 = vector.broadcast %mul3A_311 : i32 to vector<16xi32>
      %mul3A_313 = arith.muli %add3A_76, %mul3A_312 : vector<16xi32>
      %add3A_314 = vector.broadcast %scan3A_308 : i32 to vector<16xi32>
      %add3A_315 = arith.addi %mul3A_313, %add3A_314 : vector<16xi32>
      %gather3A = tpu.vector_load_idx %arg10[%add3A_315] : memref<4096xi32, #tpu.memory_space<vmem>>[vector<16xi32>], vector<16xi32>,
      %gather3A_316 = tpu.vector_load_idx %arg7[%gather3A] : memref<4096xf32, #tpu.memory_space<vmem>>[vector<16xi32>], vector<16xf32>,
      %add3A_317 = arith.addf %scan3A_309, %gather3A_316 : vector<16xf32>
      %gather3A_318 = tpu.vector_load_idx %arg8[%gather3A] : memref<4096xf32, #tpu.memory_space<vmem>>[vector<16xi32>], vector<16xf32>,
      %add3A_319 = arith.addf %scan3A_310, %gather3A_318 : vector<16xf32>
      scf.yield %add3A_317, %add3A_319 : vector<16xf32>, vector<16xf32>
    }
    %scan3A_84 = arith.constant 32 : i32
    %get3A_85 = arith.constant 32 : index
    %get3A_86 = tpu.vector_load %arg9[%get3A_85] {strides = array<i32>} : memref<128xf32, #tpu.memory_space<vmem>>, vector<16xf32>,
    %mul3A_87 = arith.constant 3.125000e-02 : f32
    %mul3A_88 = vector.broadcast %mul3A_87 : f32 to vector<16xf32>
    %mul3A_89 = arith.mulf %scan3A_83#0, %mul3A_88 : vector<16xf32>
    %mul3A_90 = arith.mulf %get3A_86, %mul3A_89 : vector<16xf32>
    %mul3A_91 = arith.constant 3.125000e-02 : f32
    %mul3A_92 = vector.broadcast %mul3A_91 : f32 to vector<16xf32>
    %mul3A_93 = arith.mulf %scan3A_83#1, %mul3A_92 : vector<16xf32>
    %sub3A_94 = arith.subf %mul3A_90, %mul3A_93 : vector<16xf32>
    %ne3A_95 = arith.cmpf one, %sub3A_94, %sub3A_94 : vector<16xf32>
    %jit3A_96 = arith.constant 1.000000e+03 : f32
    %broadcast_in_dim3A_97 = vector.broadcast %jit3A_96 : f32 to vector<16xf32>
    %select_n3A_98 = arith.select %ne3A_95, %broadcast_in_dim3A_97, %sub3A_94 : vector<16xi1>, vector<16xf32>
    %eq3A_99 = arith.constant 0x7F800000 : f32
    %eq3A_100 = vector.broadcast %eq3A_99 : f32 to vector<16xf32>
    %eq3A_101 = arith.cmpf oeq, %select_n3A_98, %eq3A_100 : vector<16xf32>
    %jit3A_102 = arith.constant 1.000000e+03 : f32
    %broadcast_in_dim3A_103 = vector.broadcast %jit3A_102 : f32 to vector<16xf32>
    %select_n3A_104 = arith.select %eq3A_101, %broadcast_in_dim3A_103, %select_n3A_98 : vector<16xi1>, vector<16xf32>
    %eq3A_105 = arith.constant 0xFF800000 : f32
    %eq3A_106 = vector.broadcast %eq3A_105 : f32 to vector<16xf32>
    %eq3A_107 = arith.cmpf oeq, %select_n3A_104, %eq3A_106 : vector<16xf32>
    %jit3A_108 = arith.constant 0.000000e+00 : f32
    %broadcast_in_dim3A_109 = vector.broadcast %jit3A_108 : f32 to vector<16xf32>
    %select_n3A_110 = arith.select %eq3A_107, %broadcast_in_dim3A_109, %select_n3A_104 : vector<16xi1>, vector<16xf32>
    %swap3A_111 = arith.constant 32 : index
    %swap3A_112 = tpu.vector_load %arg11[%swap3A_111] {strides = array<i32>} : memref<128xf32, #tpu.memory_space<vmem>>, vector<16xf32>,
    tpu.vector_store %arg11[%swap3A_111], %select_n3A_110 {strides = array<i32>} : memref<128xf32, #tpu.memory_space<vmem>>, vector<16xf32>,
    %add3A_113 = arith.constant 48 : i32
    %add3A_114 = vector.broadcast %add3A_113 : i32 to vector<16xi32>
    %add3A_115 = arith.addi %add3A_114, %iota3A : vector<16xi32>
    %broadcast_in_dim3A_116 = arith.constant 0.000000e+00 : f32
    %broadcast_in_dim3A_117 = vector.broadcast %broadcast_in_dim3A_116 : f32 to vector<16xf32>
    %scan3A_118 = arith.constant 0 : i32
    %scan3A_119 = arith.constant 32 : i32
    %scan3A_120 = arith.addi %scan3A_118, %scan3A_119 : i32
    %scan3A_121 = arith.constant 1 : i32
    %scan3A_122:2 = scf.for %scan3A_308 = %scan3A_118 to %scan3A_120 step %scan3A_121 iter_args(%scan3A_309 = %broadcast_in_dim3A_117, %scan3A_310 = %broadcast_in_dim3A_117) -> (vector<16xf32>, vector<16xf32>)  : i32 {
      %mul3A_311 = arith.constant 32 : i32
      %mul3A_312 = vector.broadcast %mul3A_311 : i32 to vector<16xi32>
      %mul3A_313 = arith.muli %add3A_115, %mul3A_312 : vector<16xi32>
      %add3A_314 = vector.broadcast %scan3A_308 : i32 to vector<16xi32>
      %add3A_315 = arith.addi %mul3A_313, %add3A_314 : vector<16xi32>
      %gather3A = tpu.vector_load_idx %arg10[%add3A_315] : memref<4096xi32, #tpu.memory_space<vmem>>[vector<16xi32>], vector<16xi32>,
      %gather3A_316 = tpu.vector_load_idx %arg7[%gather3A] : memref<4096xf32, #tpu.memory_space<vmem>>[vector<16xi32>], vector<16xf32>,
      %add3A_317 = arith.addf %scan3A_309, %gather3A_316 : vector<16xf32>
      %gather3A_318 = tpu.vector_load_idx %arg8[%gather3A] : memref<4096xf32, #tpu.memory_space<vmem>>[vector<16xi32>], vector<16xf32>,
      %add3A_319 = arith.addf %scan3A_310, %gather3A_318 : vector<16xf32>
      scf.yield %add3A_317, %add3A_319 : vector<16xf32>, vector<16xf32>
    }
    %scan3A_123 = arith.constant 32 : i32
    %get3A_124 = arith.constant 48 : index
    %get3A_125 = tpu.vector_load %arg9[%get3A_124] {strides = array<i32>} : memref<128xf32, #tpu.memory_space<vmem>>, vector<16xf32>,
    %mul3A_126 = arith.constant 3.125000e-02 : f32
    %mul3A_127 = vector.broadcast %mul3A_126 : f32 to vector<16xf32>
    %mul3A_128 = arith.mulf %scan3A_122#0, %mul3A_127 : vector<16xf32>
    %mul3A_129 = arith.mulf %get3A_125, %mul3A_128 : vector<16xf32>
    %mul3A_130 = arith.constant 3.125000e-02 : f32
    %mul3A_131 = vector.broadcast %mul3A_130 : f32 to vector<16xf32>
    %mul3A_132 = arith.mulf %scan3A_122#1, %mul3A_131 : vector<16xf32>
    %sub3A_133 = arith.subf %mul3A_129, %mul3A_132 : vector<16xf32>
    %ne3A_134 = arith.cmpf one, %sub3A_133, %sub3A_133 : vector<16xf32>
    %jit3A_135 = arith.constant 1.000000e+03 : f32
    %broadcast_in_dim3A_136 = vector.broadcast %jit3A_135 : f32 to vector<16xf32>
    %select_n3A_137 = arith.select %ne3A_134, %broadcast_in_dim3A_136, %sub3A_133 : vector<16xi1>, vector<16xf32>
    %eq3A_138 = arith.constant 0x7F800000 : f32
    %eq3A_139 = vector.broadcast %eq3A_138 : f32 to vector<16xf32>
    %eq3A_140 = arith.cmpf oeq, %select_n3A_137, %eq3A_139 : vector<16xf32>
    %jit3A_141 = arith.constant 1.000000e+03 : f32
    %broadcast_in_dim3A_142 = vector.broadcast %jit3A_141 : f32 to vector<16xf32>
    %select_n3A_143 = arith.select %eq3A_140, %broadcast_in_dim3A_142, %select_n3A_137 : vector<16xi1>, vector<16xf32>
    %eq3A_144 = arith.constant 0xFF800000 : f32
    %eq3A_145 = vector.broadcast %eq3A_144 : f32 to vector<16xf32>
    %eq3A_146 = arith.cmpf oeq, %select_n3A_143, %eq3A_145 : vector<16xf32>
    %jit3A_147 = arith.constant 0.000000e+00 : f32
    %broadcast_in_dim3A_148 = vector.broadcast %jit3A_147 : f32 to vector<16xf32>
    %select_n3A_149 = arith.select %eq3A_146, %broadcast_in_dim3A_148, %select_n3A_143 : vector<16xi1>, vector<16xf32>
    %swap3A_150 = arith.constant 48 : index
    %swap3A_151 = tpu.vector_load %arg11[%swap3A_150] {strides = array<i32>} : memref<128xf32, #tpu.memory_space<vmem>>, vector<16xf32>,
    tpu.vector_store %arg11[%swap3A_150], %select_n3A_149 {strides = array<i32>} : memref<128xf32, #tpu.memory_space<vmem>>, vector<16xf32>,
    %add3A_152 = arith.constant 64 : i32
    %add3A_153 = vector.broadcast %add3A_152 : i32 to vector<16xi32>
    %add3A_154 = arith.addi %add3A_153, %iota3A : vector<16xi32>
    %broadcast_in_dim3A_155 = arith.constant 0.000000e+00 : f32
    %broadcast_in_dim3A_156 = vector.broadcast %broadcast_in_dim3A_155 : f32 to vector<16xf32>
    %scan3A_157 = arith.constant 0 : i32
    %scan3A_158 = arith.constant 32 : i32
    %scan3A_159 = arith.addi %scan3A_157, %scan3A_158 : i32
    %scan3A_160 = arith.constant 1 : i32
    %scan3A_161:2 = scf.for %scan3A_308 = %scan3A_157 to %scan3A_159 step %scan3A_160 iter_args(%scan3A_309 = %broadcast_in_dim3A_156, %scan3A_310 = %broadcast_in_dim3A_156) -> (vector<16xf32>, vector<16xf32>)  : i32 {
      %mul3A_311 = arith.constant 32 : i32
      %mul3A_312 = vector.broadcast %mul3A_311 : i32 to vector<16xi32>
      %mul3A_313 = arith.muli %add3A_154, %mul3A_312 : vector<16xi32>
      %add3A_314 = vector.broadcast %scan3A_308 : i32 to vector<16xi32>
      %add3A_315 = arith.addi %mul3A_313, %add3A_314 : vector<16xi32>
      %gather3A = tpu.vector_load_idx %arg10[%add3A_315] : memref<4096xi32, #tpu.memory_space<vmem>>[vector<16xi32>], vector<16xi32>,
      %gather3A_316 = tpu.vector_load_idx %arg7[%gather3A] : memref<4096xf32, #tpu.memory_space<vmem>>[vector<16xi32>], vector<16xf32>,
      %add3A_317 = arith.addf %scan3A_309, %gather3A_316 : vector<16xf32>
      %gather3A_318 = tpu.vector_load_idx %arg8[%gather3A] : memref<4096xf32, #tpu.memory_space<vmem>>[vector<16xi32>], vector<16xf32>,
      %add3A_319 = arith.addf %scan3A_310, %gather3A_318 : vector<16xf32>
      scf.yield %add3A_317, %add3A_319 : vector<16xf32>, vector<16xf32>
    }
    %scan3A_162 = arith.constant 32 : i32
    %get3A_163 = arith.constant 64 : index
    %get3A_164 = tpu.vector_load %arg9[%get3A_163] {strides = array<i32>} : memref<128xf32, #tpu.memory_space<vmem>>, vector<16xf32>,
    %mul3A_165 = arith.constant 3.125000e-02 : f32
    %mul3A_166 = vector.broadcast %mul3A_165 : f32 to vector<16xf32>
    %mul3A_167 = arith.mulf %scan3A_161#0, %mul3A_166 : vector<16xf32>
    %mul3A_168 = arith.mulf %get3A_164, %mul3A_167 : vector<16xf32>
    %mul3A_169 = arith.constant 3.125000e-02 : f32
    %mul3A_170 = vector.broadcast %mul3A_169 : f32 to vector<16xf32>
    %mul3A_171 = arith.mulf %scan3A_161#1, %mul3A_170 : vector<16xf32>
    %sub3A_172 = arith.subf %mul3A_168, %mul3A_171 : vector<16xf32>
    %ne3A_173 = arith.cmpf one, %sub3A_172, %sub3A_172 : vector<16xf32>
    %jit3A_174 = arith.constant 1.000000e+03 : f32
    %broadcast_in_dim3A_175 = vector.broadcast %jit3A_174 : f32 to vector<16xf32>
    %select_n3A_176 = arith.select %ne3A_173, %broadcast_in_dim3A_175, %sub3A_172 : vector<16xi1>, vector<16xf32>
    %eq3A_177 = arith.constant 0x7F800000 : f32
    %eq3A_178 = vector.broadcast %eq3A_177 : f32 to vector<16xf32>
    %eq3A_179 = arith.cmpf oeq, %select_n3A_176, %eq3A_178 : vector<16xf32>
    %jit3A_180 = arith.constant 1.000000e+03 : f32
    %broadcast_in_dim3A_181 = vector.broadcast %jit3A_180 : f32 to vector<16xf32>
    %select_n3A_182 = arith.select %eq3A_179, %broadcast_in_dim3A_181, %select_n3A_176 : vector<16xi1>, vector<16xf32>
    %eq3A_183 = arith.constant 0xFF800000 : f32
    %eq3A_184 = vector.broadcast %eq3A_183 : f32 to vector<16xf32>
    %eq3A_185 = arith.cmpf oeq, %select_n3A_182, %eq3A_184 : vector<16xf32>
    %jit3A_186 = arith.constant 0.000000e+00 : f32
    %broadcast_in_dim3A_187 = vector.broadcast %jit3A_186 : f32 to vector<16xf32>
    %select_n3A_188 = arith.select %eq3A_185, %broadcast_in_dim3A_187, %select_n3A_182 : vector<16xi1>, vector<16xf32>
    %swap3A_189 = arith.constant 64 : index
    %swap3A_190 = tpu.vector_load %arg11[%swap3A_189] {strides = array<i32>} : memref<128xf32, #tpu.memory_space<vmem>>, vector<16xf32>,
    tpu.vector_store %arg11[%swap3A_189], %select_n3A_188 {strides = array<i32>} : memref<128xf32, #tpu.memory_space<vmem>>, vector<16xf32>,
    %add3A_191 = arith.constant 80 : i32
    %add3A_192 = vector.broadcast %add3A_191 : i32 to vector<16xi32>
    %add3A_193 = arith.addi %add3A_192, %iota3A : vector<16xi32>
    %broadcast_in_dim3A_194 = arith.constant 0.000000e+00 : f32
    %broadcast_in_dim3A_195 = vector.broadcast %broadcast_in_dim3A_194 : f32 to vector<16xf32>
    %scan3A_196 = arith.constant 0 : i32
    %scan3A_197 = arith.constant 32 : i32
    %scan3A_198 = arith.addi %scan3A_196, %scan3A_197 : i32
    %scan3A_199 = arith.constant 1 : i32
    %scan3A_200:2 = scf.for %scan3A_308 = %scan3A_196 to %scan3A_198 step %scan3A_199 iter_args(%scan3A_309 = %broadcast_in_dim3A_195, %scan3A_310 = %broadcast_in_dim3A_195) -> (vector<16xf32>, vector<16xf32>)  : i32 {
      %mul3A_311 = arith.constant 32 : i32
      %mul3A_312 = vector.broadcast %mul3A_311 : i32 to vector<16xi32>
      %mul3A_313 = arith.muli %add3A_193, %mul3A_312 : vector<16xi32>
      %add3A_314 = vector.broadcast %scan3A_308 : i32 to vector<16xi32>
      %add3A_315 = arith.addi %mul3A_313, %add3A_314 : vector<16xi32>
      %gather3A = tpu.vector_load_idx %arg10[%add3A_315] : memref<4096xi32, #tpu.memory_space<vmem>>[vector<16xi32>], vector<16xi32>,
      %gather3A_316 = tpu.vector_load_idx %arg7[%gather3A] : memref<4096xf32, #tpu.memory_space<vmem>>[vector<16xi32>], vector<16xf32>,
      %add3A_317 = arith.addf %scan3A_309, %gather3A_316 : vector<16xf32>
      %gather3A_318 = tpu.vector_load_idx %arg8[%gather3A] : memref<4096xf32, #tpu.memory_space<vmem>>[vector<16xi32>], vector<16xf32>,
      %add3A_319 = arith.addf %scan3A_310, %gather3A_318 : vector<16xf32>
      scf.yield %add3A_317, %add3A_319 : vector<16xf32>, vector<16xf32>
    }
    %scan3A_201 = arith.constant 32 : i32
    %get3A_202 = arith.constant 80 : index
    %get3A_203 = tpu.vector_load %arg9[%get3A_202] {strides = array<i32>} : memref<128xf32, #tpu.memory_space<vmem>>, vector<16xf32>,
    %mul3A_204 = arith.constant 3.125000e-02 : f32
    %mul3A_205 = vector.broadcast %mul3A_204 : f32 to vector<16xf32>
    %mul3A_206 = arith.mulf %scan3A_200#0, %mul3A_205 : vector<16xf32>
    %mul3A_207 = arith.mulf %get3A_203, %mul3A_206 : vector<16xf32>
    %mul3A_208 = arith.constant 3.125000e-02 : f32
    %mul3A_209 = vector.broadcast %mul3A_208 : f32 to vector<16xf32>
    %mul3A_210 = arith.mulf %scan3A_200#1, %mul3A_209 : vector<16xf32>
    %sub3A_211 = arith.subf %mul3A_207, %mul3A_210 : vector<16xf32>
    %ne3A_212 = arith.cmpf one, %sub3A_211, %sub3A_211 : vector<16xf32>
    %jit3A_213 = arith.constant 1.000000e+03 : f32
    %broadcast_in_dim3A_214 = vector.broadcast %jit3A_213 : f32 to vector<16xf32>
    %select_n3A_215 = arith.select %ne3A_212, %broadcast_in_dim3A_214, %sub3A_211 : vector<16xi1>, vector<16xf32>
    %eq3A_216 = arith.constant 0x7F800000 : f32
    %eq3A_217 = vector.broadcast %eq3A_216 : f32 to vector<16xf32>
    %eq3A_218 = arith.cmpf oeq, %select_n3A_215, %eq3A_217 : vector<16xf32>
    %jit3A_219 = arith.constant 1.000000e+03 : f32
    %broadcast_in_dim3A_220 = vector.broadcast %jit3A_219 : f32 to vector<16xf32>
    %select_n3A_221 = arith.select %eq3A_218, %broadcast_in_dim3A_220, %select_n3A_215 : vector<16xi1>, vector<16xf32>
    %eq3A_222 = arith.constant 0xFF800000 : f32
    %eq3A_223 = vector.broadcast %eq3A_222 : f32 to vector<16xf32>
    %eq3A_224 = arith.cmpf oeq, %select_n3A_221, %eq3A_223 : vector<16xf32>
    %jit3A_225 = arith.constant 0.000000e+00 : f32
    %broadcast_in_dim3A_226 = vector.broadcast %jit3A_225 : f32 to vector<16xf32>
    %select_n3A_227 = arith.select %eq3A_224, %broadcast_in_dim3A_226, %select_n3A_221 : vector<16xi1>, vector<16xf32>
    %swap3A_228 = arith.constant 80 : index
    %swap3A_229 = tpu.vector_load %arg11[%swap3A_228] {strides = array<i32>} : memref<128xf32, #tpu.memory_space<vmem>>, vector<16xf32>,
    tpu.vector_store %arg11[%swap3A_228], %select_n3A_227 {strides = array<i32>} : memref<128xf32, #tpu.memory_space<vmem>>, vector<16xf32>,
    %add3A_230 = arith.constant 96 : i32
    %add3A_231 = vector.broadcast %add3A_230 : i32 to vector<16xi32>
    %add3A_232 = arith.addi %add3A_231, %iota3A : vector<16xi32>
    %broadcast_in_dim3A_233 = arith.constant 0.000000e+00 : f32
    %broadcast_in_dim3A_234 = vector.broadcast %broadcast_in_dim3A_233 : f32 to vector<16xf32>
    %scan3A_235 = arith.constant 0 : i32
    %scan3A_236 = arith.constant 32 : i32
    %scan3A_237 = arith.addi %scan3A_235, %scan3A_236 : i32
    %scan3A_238 = arith.constant 1 : i32
    %scan3A_239:2 = scf.for %scan3A_308 = %scan3A_235 to %scan3A_237 step %scan3A_238 iter_args(%scan3A_309 = %broadcast_in_dim3A_234, %scan3A_310 = %broadcast_in_dim3A_234) -> (vector<16xf32>, vector<16xf32>)  : i32 {
      %mul3A_311 = arith.constant 32 : i32
      %mul3A_312 = vector.broadcast %mul3A_311 : i32 to vector<16xi32>
      %mul3A_313 = arith.muli %add3A_232, %mul3A_312 : vector<16xi32>
      %add3A_314 = vector.broadcast %scan3A_308 : i32 to vector<16xi32>
      %add3A_315 = arith.addi %mul3A_313, %add3A_314 : vector<16xi32>
      %gather3A = tpu.vector_load_idx %arg10[%add3A_315] : memref<4096xi32, #tpu.memory_space<vmem>>[vector<16xi32>], vector<16xi32>,
      %gather3A_316 = tpu.vector_load_idx %arg7[%gather3A] : memref<4096xf32, #tpu.memory_space<vmem>>[vector<16xi32>], vector<16xf32>,
      %add3A_317 = arith.addf %scan3A_309, %gather3A_316 : vector<16xf32>
      %gather3A_318 = tpu.vector_load_idx %arg8[%gather3A] : memref<4096xf32, #tpu.memory_space<vmem>>[vector<16xi32>], vector<16xf32>,
      %add3A_319 = arith.addf %scan3A_310, %gather3A_318 : vector<16xf32>
      scf.yield %add3A_317, %add3A_319 : vector<16xf32>, vector<16xf32>
    }
    %scan3A_240 = arith.constant 32 : i32
    %get3A_241 = arith.constant 96 : index
    %get3A_242 = tpu.vector_load %arg9[%get3A_241] {strides = array<i32>} : memref<128xf32, #tpu.memory_space<vmem>>, vector<16xf32>,
    %mul3A_243 = arith.constant 3.125000e-02 : f32
    %mul3A_244 = vector.broadcast %mul3A_243 : f32 to vector<16xf32>
    %mul3A_245 = arith.mulf %scan3A_239#0, %mul3A_244 : vector<16xf32>
    %mul3A_246 = arith.mulf %get3A_242, %mul3A_245 : vector<16xf32>
    %mul3A_247 = arith.constant 3.125000e-02 : f32
    %mul3A_248 = vector.broadcast %mul3A_247 : f32 to vector<16xf32>
    %mul3A_249 = arith.mulf %scan3A_239#1, %mul3A_248 : vector<16xf32>
    %sub3A_250 = arith.subf %mul3A_246, %mul3A_249 : vector<16xf32>
    %ne3A_251 = arith.cmpf one, %sub3A_250, %sub3A_250 : vector<16xf32>
    %jit3A_252 = arith.constant 1.000000e+03 : f32
    %broadcast_in_dim3A_253 = vector.broadcast %jit3A_252 : f32 to vector<16xf32>
    %select_n3A_254 = arith.select %ne3A_251, %broadcast_in_dim3A_253, %sub3A_250 : vector<16xi1>, vector<16xf32>
    %eq3A_255 = arith.constant 0x7F800000 : f32
    %eq3A_256 = vector.broadcast %eq3A_255 : f32 to vector<16xf32>
    %eq3A_257 = arith.cmpf oeq, %select_n3A_254, %eq3A_256 : vector<16xf32>
    %jit3A_258 = arith.constant 1.000000e+03 : f32
    %broadcast_in_dim3A_259 = vector.broadcast %jit3A_258 : f32 to vector<16xf32>
    %select_n3A_260 = arith.select %eq3A_257, %broadcast_in_dim3A_259, %select_n3A_254 : vector<16xi1>, vector<16xf32>
    %eq3A_261 = arith.constant 0xFF800000 : f32
    %eq3A_262 = vector.broadcast %eq3A_261 : f32 to vector<16xf32>
    %eq3A_263 = arith.cmpf oeq, %select_n3A_260, %eq3A_262 : vector<16xf32>
    %jit3A_264 = arith.constant 0.000000e+00 : f32
    %broadcast_in_dim3A_265 = vector.broadcast %jit3A_264 : f32 to vector<16xf32>
    %select_n3A_266 = arith.select %eq3A_263, %broadcast_in_dim3A_265, %select_n3A_260 : vector<16xi1>, vector<16xf32>
    %swap3A_267 = arith.constant 96 : index
    %swap3A_268 = tpu.vector_load %arg11[%swap3A_267] {strides = array<i32>} : memref<128xf32, #tpu.memory_space<vmem>>, vector<16xf32>,
    tpu.vector_store %arg11[%swap3A_267], %select_n3A_266 {strides = array<i32>} : memref<128xf32, #tpu.memory_space<vmem>>, vector<16xf32>,
    %add3A_269 = arith.constant 112 : i32
    %add3A_270 = vector.broadcast %add3A_269 : i32 to vector<16xi32>
    %add3A_271 = arith.addi %add3A_270, %iota3A : vector<16xi32>
    %broadcast_in_dim3A_272 = arith.constant 0.000000e+00 : f32
    %broadcast_in_dim3A_273 = vector.broadcast %broadcast_in_dim3A_272 : f32 to vector<16xf32>
    %scan3A_274 = arith.constant 0 : i32
    %scan3A_275 = arith.constant 32 : i32
    %scan3A_276 = arith.addi %scan3A_274, %scan3A_275 : i32
    %scan3A_277 = arith.constant 1 : i32
    %scan3A_278:2 = scf.for %scan3A_308 = %scan3A_274 to %scan3A_276 step %scan3A_277 iter_args(%scan3A_309 = %broadcast_in_dim3A_273, %scan3A_310 = %broadcast_in_dim3A_273) -> (vector<16xf32>, vector<16xf32>)  : i32 {
      %mul3A_311 = arith.constant 32 : i32
      %mul3A_312 = vector.broadcast %mul3A_311 : i32 to vector<16xi32>
      %mul3A_313 = arith.muli %add3A_271, %mul3A_312 : vector<16xi32>
      %add3A_314 = vector.broadcast %scan3A_308 : i32 to vector<16xi32>
      %add3A_315 = arith.addi %mul3A_313, %add3A_314 : vector<16xi32>
      %gather3A = tpu.vector_load_idx %arg10[%add3A_315] : memref<4096xi32, #tpu.memory_space<vmem>>[vector<16xi32>], vector<16xi32>,
      %gather3A_316 = tpu.vector_load_idx %arg7[%gather3A] : memref<4096xf32, #tpu.memory_space<vmem>>[vector<16xi32>], vector<16xf32>,
      %add3A_317 = arith.addf %scan3A_309, %gather3A_316 : vector<16xf32>
      %gather3A_318 = tpu.vector_load_idx %arg8[%gather3A] : memref<4096xf32, #tpu.memory_space<vmem>>[vector<16xi32>], vector<16xf32>,
      %add3A_319 = arith.addf %scan3A_310, %gather3A_318 : vector<16xf32>
      scf.yield %add3A_317, %add3A_319 : vector<16xf32>, vector<16xf32>
    }
    %scan3A_279 = arith.constant 32 : i32
    %get3A_280 = arith.constant 112 : index
    %get3A_281 = tpu.vector_load %arg9[%get3A_280] {strides = array<i32>} : memref<128xf32, #tpu.memory_space<vmem>>, vector<16xf32>,
    %mul3A_282 = arith.constant 3.125000e-02 : f32
    %mul3A_283 = vector.broadcast %mul3A_282 : f32 to vector<16xf32>
    %mul3A_284 = arith.mulf %scan3A_278#0, %mul3A_283 : vector<16xf32>
    %mul3A_285 = arith.mulf %get3A_281, %mul3A_284 : vector<16xf32>
    %mul3A_286 = arith.constant 3.125000e-02 : f32
    %mul3A_287 = vector.broadcast %mul3A_286 : f32 to vector<16xf32>
    %mul3A_288 = arith.mulf %scan3A_278#1, %mul3A_287 : vector<16xf32>
    %sub3A_289 = arith.subf %mul3A_285, %mul3A_288 : vector<16xf32>
    %ne3A_290 = arith.cmpf one, %sub3A_289, %sub3A_289 : vector<16xf32>
    %jit3A_291 = arith.constant 1.000000e+03 : f32
    %broadcast_in_dim3A_292 = vector.broadcast %jit3A_291 : f32 to vector<16xf32>
    %select_n3A_293 = arith.select %ne3A_290, %broadcast_in_dim3A_292, %sub3A_289 : vector<16xi1>, vector<16xf32>
    %eq3A_294 = arith.constant 0x7F800000 : f32
    %eq3A_295 = vector.broadcast %eq3A_294 : f32 to vector<16xf32>
    %eq3A_296 = arith.cmpf oeq, %select_n3A_293, %eq3A_295 : vector<16xf32>
    %jit3A_297 = arith.constant 1.000000e+03 : f32
    %broadcast_in_dim3A_298 = vector.broadcast %jit3A_297 : f32 to vector<16xf32>
    %select_n3A_299 = arith.select %eq3A_296, %broadcast_in_dim3A_298, %select_n3A_293 : vector<16xi1>, vector<16xf32>
    %eq3A_300 = arith.constant 0xFF800000 : f32
    %eq3A_301 = vector.broadcast %eq3A_300 : f32 to vector<16xf32>
    %eq3A_302 = arith.cmpf oeq, %select_n3A_299, %eq3A_301 : vector<16xf32>
    %jit3A_303 = arith.constant 0.000000e+00 : f32
    %broadcast_in_dim3A_304 = vector.broadcast %jit3A_303 : f32 to vector<16xf32>
    %select_n3A_305 = arith.select %eq3A_302, %broadcast_in_dim3A_304, %select_n3A_299 : vector<16xi1>, vector<16xf32>
    %swap3A_306 = arith.constant 112 : index
    %swap3A_307 = tpu.vector_load %arg11[%swap3A_306] {strides = array<i32>} : memref<128xf32, #tpu.memory_space<vmem>>, vector<16xf32>,
    tpu.vector_store %arg11[%swap3A_306], %select_n3A_305 {strides = array<i32>} : memref<128xf32, #tpu.memory_space<vmem>>, vector<16xf32>,
    "tpu.region"() ({
      %run_scoped3A = tpu.sem_alloc : memref<!tpu.dma_semaphore, #tpu.memory_space<semaphore_mem>>
      %dma_start3A = tpu.memref_slice %arg6[%mul3A_2] : memref<4096xf32, #tpu.memory_space<hbm>> -> memref<128xf32, #tpu.memory_space<hbm>>
      %dma_start3A_308 = tpu.memref_slice %arg6[%mul3A_2] : memref<4096xf32, #tpu.memory_space<hbm>> -> memref<128xf32, #tpu.memory_space<hbm>>
      tpu.enqueue_dma source(%arg11 : memref<128xf32, #tpu.memory_space<vmem>>) target(%dma_start3A_308 : memref<128xf32, #tpu.memory_space<hbm>>) target_semaphore(%run_scoped3A : memref<!tpu.dma_semaphore, #tpu.memory_space<semaphore_mem>>)
      %dma_wait3A = tpu.memref_slice %arg6[%mul3A_2] : memref<4096xf32, #tpu.memory_space<hbm>> -> memref<128xf32, #tpu.memory_space<hbm>>
      %dma_wait3A_309 = tpu.memref_slice %arg6[%mul3A_2] : memref<4096xf32, #tpu.memory_space<hbm>> -> memref<128xf32, #tpu.memory_space<hbm>>
      tpu.wait_dma2 semaphore(%run_scoped3A : memref<!tpu.dma_semaphore, #tpu.memory_space<semaphore_mem>>) src(%arg11 : memref<128xf32, #tpu.memory_space<vmem>>) dst(%dma_wait3A_309 : memref<128xf32, #tpu.memory_space<hbm>>)
      tpu.yield
    }) : () -> ()
    return
  }
}

module attributes {stable_mosaic.version = 14 : i64} {
  func.func @_topk_kernel(%arg0: i32, %arg1: memref<1024x512xf32, #tpu.memory_space<vmem>>, %arg2: memref<4096x512xf32, #tpu.memory_space<vmem>>, %arg3: memref<1024xf32, #tpu.memory_space<vmem>>, %arg4: memref<1024xf32, #tpu.memory_space<vmem>>, %arg5: memref<1024xf32, #tpu.memory_space<vmem>>, %arg6: memref<1024x32xi32, #tpu.memory_space<vmem>>) attributes {dimension_semantics = [#tpu.dimension_semantics<arbitrary>], iteration_bounds = array<i64: 4>, scalar_prefetch = 0 : i64, scratch_operands = 0 : i64, tpu.core_type = #tpu.core_type<tc>, window_params = [{transform_indices = @transform_0, window_bounds = array<i64: 1024, 512>}, {pipeline_mode = #tpu.pipeline_mode<synchronous>, transform_indices = @transform_1, window_bounds = array<i64: 4096, 512>}, {transform_indices = @transform_2, window_bounds = array<i64: 1024>}, {transform_indices = @transform_3, window_bounds = array<i64: 1024>}, {transform_indices = @transform_4, window_bounds = array<i64: 1024>}, {transform_indices = @transform_5, window_bounds = array<i64: 1024, 32>}]} {
    %get3A = arith.constant 0 : index
    %get3A_0 = arith.constant 0 : index
    %get3A_1 = vector.load %arg1[%get3A, %get3A_0] : memref<1024x512xf32, #tpu.memory_space<vmem>>, vector<1024x512xf32>
    %get3A_2 = arith.constant 0 : index
    %get3A_3 = arith.constant 0 : index
    %get3A_4 = vector.load %arg2[%get3A_2, %get3A_3] : memref<4096x512xf32, #tpu.memory_space<vmem>>, vector<4096x512xf32>
    %mul3A = arith.mulf %get3A_1, %get3A_1 : vector<1024x512xf32>
    %reduce_sum3A = arith.constant dense<0.000000e+00> : vector<1024xf32>
    %reduce_sum3A_5 = vector.multi_reduction <add>, %mul3A, %reduce_sum3A [1] : vector<1024x512xf32> to vector<1024xf32>
    %broadcast_in_dim3A = vector.shape_cast %reduce_sum3A_5 : vector<1024xf32> to vector<1024x1xf32>
    %mul3A_6 = arith.mulf %get3A_4, %get3A_4 : vector<4096x512xf32>
    %reduce_sum3A_7 = arith.constant dense<0.000000e+00> : vector<4096xf32>
    %reduce_sum3A_8 = vector.multi_reduction <add>, %mul3A_6, %reduce_sum3A_7 [1] : vector<4096x512xf32> to vector<4096xf32>
    %broadcast_in_dim3A_9 = vector.shape_cast %reduce_sum3A_8 : vector<4096xf32> to vector<1x4096xf32>
    %mul3A_10 = arith.constant -2.000000e+00 : f32
    %mul3A_11 = vector.broadcast %mul3A_10 : f32 to vector<1024x512xf32>
    %mul3A_12 = arith.mulf %get3A_1, %mul3A_11 : vector<1024x512xf32>
    %dot_general3A = arith.constant dense<0.000000e+00> : vector<1024x4096xf32>
    %dot_general3A_13 = tpu.matmul %mul3A_12, %get3A_4, %dot_general3A {dimension_numbers = #tpu.dot_dimension_numbers<[1], [1], [0], [0], [0, 0, 1, 0], [], []>, transpose_lhs_hint = false} : vector<1024x512xf32>, vector<4096x512xf32>, vector<1024x4096xf32> -> vector<1024x4096xf32>
    %add3A = vector.broadcast %broadcast_in_dim3A : vector<1024x1xf32> to vector<1024x4096xf32>
    %add3A_14 = vector.broadcast %broadcast_in_dim3A_9 : vector<1x4096xf32> to vector<1024x4096xf32>
    %add3A_15 = arith.addf %add3A, %add3A_14 : vector<1024x4096xf32>
    %add3A_16 = arith.addf %add3A_15, %dot_general3A_13 : vector<1024x4096xf32>
    %max3A = arith.constant 9.99999996E-13 : f32
    %max3A_17 = vector.broadcast %max3A : f32 to vector<1024x4096xf32>
    %max3A_18 = arith.maximumf %add3A_16, %max3A_17 : vector<1024x4096xf32>
    %bitcast_convert_type3A = tpu.bitcast %max3A_18 : vector<1024x4096xf32> -> vector<1024x4096xi32>
    %bitcast_convert_type3A_19 = arith.constant 2139095039 : i32
    %bitcast_convert_type3A_20 = arith.bitcast %bitcast_convert_type3A_19 : i32 to f32
    %slice3A = vector.extract_strided_slice %bitcast_convert_type3A {offsets = [0, 0], sizes = [1024, 128], strides = [1, 1]} : vector<1024x4096xi32> to vector<1024x128xi32>
    %and3A = arith.constant -32 : i32
    %and3A_21 = vector.broadcast %and3A : i32 to vector<1024x128xi32>
    %and3A_22 = arith.andi %slice3A, %and3A_21 : vector<1024x128xi32>
    %or3A = arith.constant 0 : i32
    %or3A_23 = vector.broadcast %or3A : i32 to vector<1024x128xi32>
    %or3A_24 = arith.ori %and3A_22, %or3A_23 : vector<1024x128xi32>
    %bitcast_convert_type3A_25 = tpu.bitcast %or3A_24 : vector<1024x128xi32> -> vector<1024x128xf32>
    %slice3A_26 = vector.extract_strided_slice %bitcast_convert_type3A {offsets = [0, 128], sizes = [1024, 128], strides = [1, 1]} : vector<1024x4096xi32> to vector<1024x128xi32>
    %and3A_27 = arith.constant -32 : i32
    %and3A_28 = vector.broadcast %and3A_27 : i32 to vector<1024x128xi32>
    %and3A_29 = arith.andi %slice3A_26, %and3A_28 : vector<1024x128xi32>
    %or3A_30 = arith.constant 1 : i32
    %or3A_31 = vector.broadcast %or3A_30 : i32 to vector<1024x128xi32>
    %or3A_32 = arith.ori %and3A_29, %or3A_31 : vector<1024x128xi32>
    %bitcast_convert_type3A_33 = tpu.bitcast %or3A_32 : vector<1024x128xi32> -> vector<1024x128xf32>
    %slice3A_34 = vector.extract_strided_slice %bitcast_convert_type3A {offsets = [0, 256], sizes = [1024, 128], strides = [1, 1]} : vector<1024x4096xi32> to vector<1024x128xi32>
    %and3A_35 = arith.constant -32 : i32
    %and3A_36 = vector.broadcast %and3A_35 : i32 to vector<1024x128xi32>
    %and3A_37 = arith.andi %slice3A_34, %and3A_36 : vector<1024x128xi32>
    %or3A_38 = arith.constant 2 : i32
    %or3A_39 = vector.broadcast %or3A_38 : i32 to vector<1024x128xi32>
    %or3A_40 = arith.ori %and3A_37, %or3A_39 : vector<1024x128xi32>
    %bitcast_convert_type3A_41 = tpu.bitcast %or3A_40 : vector<1024x128xi32> -> vector<1024x128xf32>
    %slice3A_42 = vector.extract_strided_slice %bitcast_convert_type3A {offsets = [0, 384], sizes = [1024, 128], strides = [1, 1]} : vector<1024x4096xi32> to vector<1024x128xi32>
    %and3A_43 = arith.constant -32 : i32
    %and3A_44 = vector.broadcast %and3A_43 : i32 to vector<1024x128xi32>
    %and3A_45 = arith.andi %slice3A_42, %and3A_44 : vector<1024x128xi32>
    %or3A_46 = arith.constant 3 : i32
    %or3A_47 = vector.broadcast %or3A_46 : i32 to vector<1024x128xi32>
    %or3A_48 = arith.ori %and3A_45, %or3A_47 : vector<1024x128xi32>
    %bitcast_convert_type3A_49 = tpu.bitcast %or3A_48 : vector<1024x128xi32> -> vector<1024x128xf32>
    %slice3A_50 = vector.extract_strided_slice %bitcast_convert_type3A {offsets = [0, 512], sizes = [1024, 128], strides = [1, 1]} : vector<1024x4096xi32> to vector<1024x128xi32>
    %and3A_51 = arith.constant -32 : i32
    %and3A_52 = vector.broadcast %and3A_51 : i32 to vector<1024x128xi32>
    %and3A_53 = arith.andi %slice3A_50, %and3A_52 : vector<1024x128xi32>
    %or3A_54 = arith.constant 4 : i32
    %or3A_55 = vector.broadcast %or3A_54 : i32 to vector<1024x128xi32>
    %or3A_56 = arith.ori %and3A_53, %or3A_55 : vector<1024x128xi32>
    %bitcast_convert_type3A_57 = tpu.bitcast %or3A_56 : vector<1024x128xi32> -> vector<1024x128xf32>
    %slice3A_58 = vector.extract_strided_slice %bitcast_convert_type3A {offsets = [0, 640], sizes = [1024, 128], strides = [1, 1]} : vector<1024x4096xi32> to vector<1024x128xi32>
    %and3A_59 = arith.constant -32 : i32
    %and3A_60 = vector.broadcast %and3A_59 : i32 to vector<1024x128xi32>
    %and3A_61 = arith.andi %slice3A_58, %and3A_60 : vector<1024x128xi32>
    %or3A_62 = arith.constant 5 : i32
    %or3A_63 = vector.broadcast %or3A_62 : i32 to vector<1024x128xi32>
    %or3A_64 = arith.ori %and3A_61, %or3A_63 : vector<1024x128xi32>
    %bitcast_convert_type3A_65 = tpu.bitcast %or3A_64 : vector<1024x128xi32> -> vector<1024x128xf32>
    %slice3A_66 = vector.extract_strided_slice %bitcast_convert_type3A {offsets = [0, 768], sizes = [1024, 128], strides = [1, 1]} : vector<1024x4096xi32> to vector<1024x128xi32>
    %and3A_67 = arith.constant -32 : i32
    %and3A_68 = vector.broadcast %and3A_67 : i32 to vector<1024x128xi32>
    %and3A_69 = arith.andi %slice3A_66, %and3A_68 : vector<1024x128xi32>
    %or3A_70 = arith.constant 6 : i32
    %or3A_71 = vector.broadcast %or3A_70 : i32 to vector<1024x128xi32>
    %or3A_72 = arith.ori %and3A_69, %or3A_71 : vector<1024x128xi32>
    %bitcast_convert_type3A_73 = tpu.bitcast %or3A_72 : vector<1024x128xi32> -> vector<1024x128xf32>
    %slice3A_74 = vector.extract_strided_slice %bitcast_convert_type3A {offsets = [0, 896], sizes = [1024, 128], strides = [1, 1]} : vector<1024x4096xi32> to vector<1024x128xi32>
    %and3A_75 = arith.constant -32 : i32
    %and3A_76 = vector.broadcast %and3A_75 : i32 to vector<1024x128xi32>
    %and3A_77 = arith.andi %slice3A_74, %and3A_76 : vector<1024x128xi32>
    %or3A_78 = arith.constant 7 : i32
    %or3A_79 = vector.broadcast %or3A_78 : i32 to vector<1024x128xi32>
    %or3A_80 = arith.ori %and3A_77, %or3A_79 : vector<1024x128xi32>
    %bitcast_convert_type3A_81 = tpu.bitcast %or3A_80 : vector<1024x128xi32> -> vector<1024x128xf32>
    %slice3A_82 = vector.extract_strided_slice %bitcast_convert_type3A {offsets = [0, 1024], sizes = [1024, 128], strides = [1, 1]} : vector<1024x4096xi32> to vector<1024x128xi32>
    %and3A_83 = arith.constant -32 : i32
    %and3A_84 = vector.broadcast %and3A_83 : i32 to vector<1024x128xi32>
    %and3A_85 = arith.andi %slice3A_82, %and3A_84 : vector<1024x128xi32>
    %or3A_86 = arith.constant 8 : i32
    %or3A_87 = vector.broadcast %or3A_86 : i32 to vector<1024x128xi32>
    %or3A_88 = arith.ori %and3A_85, %or3A_87 : vector<1024x128xi32>
    %bitcast_convert_type3A_89 = tpu.bitcast %or3A_88 : vector<1024x128xi32> -> vector<1024x128xf32>
    %slice3A_90 = vector.extract_strided_slice %bitcast_convert_type3A {offsets = [0, 1152], sizes = [1024, 128], strides = [1, 1]} : vector<1024x4096xi32> to vector<1024x128xi32>
    %and3A_91 = arith.constant -32 : i32
    %and3A_92 = vector.broadcast %and3A_91 : i32 to vector<1024x128xi32>
    %and3A_93 = arith.andi %slice3A_90, %and3A_92 : vector<1024x128xi32>
    %or3A_94 = arith.constant 9 : i32
    %or3A_95 = vector.broadcast %or3A_94 : i32 to vector<1024x128xi32>
    %or3A_96 = arith.ori %and3A_93, %or3A_95 : vector<1024x128xi32>
    %bitcast_convert_type3A_97 = tpu.bitcast %or3A_96 : vector<1024x128xi32> -> vector<1024x128xf32>
    %slice3A_98 = vector.extract_strided_slice %bitcast_convert_type3A {offsets = [0, 1280], sizes = [1024, 128], strides = [1, 1]} : vector<1024x4096xi32> to vector<1024x128xi32>
    %and3A_99 = arith.constant -32 : i32
    %and3A_100 = vector.broadcast %and3A_99 : i32 to vector<1024x128xi32>
    %and3A_101 = arith.andi %slice3A_98, %and3A_100 : vector<1024x128xi32>
    %or3A_102 = arith.constant 10 : i32
    %or3A_103 = vector.broadcast %or3A_102 : i32 to vector<1024x128xi32>
    %or3A_104 = arith.ori %and3A_101, %or3A_103 : vector<1024x128xi32>
    %bitcast_convert_type3A_105 = tpu.bitcast %or3A_104 : vector<1024x128xi32> -> vector<1024x128xf32>
    %slice3A_106 = vector.extract_strided_slice %bitcast_convert_type3A {offsets = [0, 1408], sizes = [1024, 128], strides = [1, 1]} : vector<1024x4096xi32> to vector<1024x128xi32>
    %and3A_107 = arith.constant -32 : i32
    %and3A_108 = vector.broadcast %and3A_107 : i32 to vector<1024x128xi32>
    %and3A_109 = arith.andi %slice3A_106, %and3A_108 : vector<1024x128xi32>
    %or3A_110 = arith.constant 11 : i32
    %or3A_111 = vector.broadcast %or3A_110 : i32 to vector<1024x128xi32>
    %or3A_112 = arith.ori %and3A_109, %or3A_111 : vector<1024x128xi32>
    %bitcast_convert_type3A_113 = tpu.bitcast %or3A_112 : vector<1024x128xi32> -> vector<1024x128xf32>
    %slice3A_114 = vector.extract_strided_slice %bitcast_convert_type3A {offsets = [0, 1536], sizes = [1024, 128], strides = [1, 1]} : vector<1024x4096xi32> to vector<1024x128xi32>
    %and3A_115 = arith.constant -32 : i32
    %and3A_116 = vector.broadcast %and3A_115 : i32 to vector<1024x128xi32>
    %and3A_117 = arith.andi %slice3A_114, %and3A_116 : vector<1024x128xi32>
    %or3A_118 = arith.constant 12 : i32
    %or3A_119 = vector.broadcast %or3A_118 : i32 to vector<1024x128xi32>
    %or3A_120 = arith.ori %and3A_117, %or3A_119 : vector<1024x128xi32>
    %bitcast_convert_type3A_121 = tpu.bitcast %or3A_120 : vector<1024x128xi32> -> vector<1024x128xf32>
    %slice3A_122 = vector.extract_strided_slice %bitcast_convert_type3A {offsets = [0, 1664], sizes = [1024, 128], strides = [1, 1]} : vector<1024x4096xi32> to vector<1024x128xi32>
    %and3A_123 = arith.constant -32 : i32
    %and3A_124 = vector.broadcast %and3A_123 : i32 to vector<1024x128xi32>
    %and3A_125 = arith.andi %slice3A_122, %and3A_124 : vector<1024x128xi32>
    %or3A_126 = arith.constant 13 : i32
    %or3A_127 = vector.broadcast %or3A_126 : i32 to vector<1024x128xi32>
    %or3A_128 = arith.ori %and3A_125, %or3A_127 : vector<1024x128xi32>
    %bitcast_convert_type3A_129 = tpu.bitcast %or3A_128 : vector<1024x128xi32> -> vector<1024x128xf32>
    %slice3A_130 = vector.extract_strided_slice %bitcast_convert_type3A {offsets = [0, 1792], sizes = [1024, 128], strides = [1, 1]} : vector<1024x4096xi32> to vector<1024x128xi32>
    %and3A_131 = arith.constant -32 : i32
    %and3A_132 = vector.broadcast %and3A_131 : i32 to vector<1024x128xi32>
    %and3A_133 = arith.andi %slice3A_130, %and3A_132 : vector<1024x128xi32>
    %or3A_134 = arith.constant 14 : i32
    %or3A_135 = vector.broadcast %or3A_134 : i32 to vector<1024x128xi32>
    %or3A_136 = arith.ori %and3A_133, %or3A_135 : vector<1024x128xi32>
    %bitcast_convert_type3A_137 = tpu.bitcast %or3A_136 : vector<1024x128xi32> -> vector<1024x128xf32>
    %slice3A_138 = vector.extract_strided_slice %bitcast_convert_type3A {offsets = [0, 1920], sizes = [1024, 128], strides = [1, 1]} : vector<1024x4096xi32> to vector<1024x128xi32>
    %and3A_139 = arith.constant -32 : i32
    %and3A_140 = vector.broadcast %and3A_139 : i32 to vector<1024x128xi32>
    %and3A_141 = arith.andi %slice3A_138, %and3A_140 : vector<1024x128xi32>
    %or3A_142 = arith.constant 15 : i32
    %or3A_143 = vector.broadcast %or3A_142 : i32 to vector<1024x128xi32>
    %or3A_144 = arith.ori %and3A_141, %or3A_143 : vector<1024x128xi32>
    %bitcast_convert_type3A_145 = tpu.bitcast %or3A_144 : vector<1024x128xi32> -> vector<1024x128xf32>
    %slice3A_146 = vector.extract_strided_slice %bitcast_convert_type3A {offsets = [0, 2048], sizes = [1024, 128], strides = [1, 1]} : vector<1024x4096xi32> to vector<1024x128xi32>
    %and3A_147 = arith.constant -32 : i32
    %and3A_148 = vector.broadcast %and3A_147 : i32 to vector<1024x128xi32>
    %and3A_149 = arith.andi %slice3A_146, %and3A_148 : vector<1024x128xi32>
    %or3A_150 = arith.constant 16 : i32
    %or3A_151 = vector.broadcast %or3A_150 : i32 to vector<1024x128xi32>
    %or3A_152 = arith.ori %and3A_149, %or3A_151 : vector<1024x128xi32>
    %bitcast_convert_type3A_153 = tpu.bitcast %or3A_152 : vector<1024x128xi32> -> vector<1024x128xf32>
    %slice3A_154 = vector.extract_strided_slice %bitcast_convert_type3A {offsets = [0, 2176], sizes = [1024, 128], strides = [1, 1]} : vector<1024x4096xi32> to vector<1024x128xi32>
    %and3A_155 = arith.constant -32 : i32
    %and3A_156 = vector.broadcast %and3A_155 : i32 to vector<1024x128xi32>
    %and3A_157 = arith.andi %slice3A_154, %and3A_156 : vector<1024x128xi32>
    %or3A_158 = arith.constant 17 : i32
    %or3A_159 = vector.broadcast %or3A_158 : i32 to vector<1024x128xi32>
    %or3A_160 = arith.ori %and3A_157, %or3A_159 : vector<1024x128xi32>
    %bitcast_convert_type3A_161 = tpu.bitcast %or3A_160 : vector<1024x128xi32> -> vector<1024x128xf32>
    %slice3A_162 = vector.extract_strided_slice %bitcast_convert_type3A {offsets = [0, 2304], sizes = [1024, 128], strides = [1, 1]} : vector<1024x4096xi32> to vector<1024x128xi32>
    %and3A_163 = arith.constant -32 : i32
    %and3A_164 = vector.broadcast %and3A_163 : i32 to vector<1024x128xi32>
    %and3A_165 = arith.andi %slice3A_162, %and3A_164 : vector<1024x128xi32>
    %or3A_166 = arith.constant 18 : i32
    %or3A_167 = vector.broadcast %or3A_166 : i32 to vector<1024x128xi32>
    %or3A_168 = arith.ori %and3A_165, %or3A_167 : vector<1024x128xi32>
    %bitcast_convert_type3A_169 = tpu.bitcast %or3A_168 : vector<1024x128xi32> -> vector<1024x128xf32>
    %slice3A_170 = vector.extract_strided_slice %bitcast_convert_type3A {offsets = [0, 2432], sizes = [1024, 128], strides = [1, 1]} : vector<1024x4096xi32> to vector<1024x128xi32>
    %and3A_171 = arith.constant -32 : i32
    %and3A_172 = vector.broadcast %and3A_171 : i32 to vector<1024x128xi32>
    %and3A_173 = arith.andi %slice3A_170, %and3A_172 : vector<1024x128xi32>
    %or3A_174 = arith.constant 19 : i32
    %or3A_175 = vector.broadcast %or3A_174 : i32 to vector<1024x128xi32>
    %or3A_176 = arith.ori %and3A_173, %or3A_175 : vector<1024x128xi32>
    %bitcast_convert_type3A_177 = tpu.bitcast %or3A_176 : vector<1024x128xi32> -> vector<1024x128xf32>
    %slice3A_178 = vector.extract_strided_slice %bitcast_convert_type3A {offsets = [0, 2560], sizes = [1024, 128], strides = [1, 1]} : vector<1024x4096xi32> to vector<1024x128xi32>
    %and3A_179 = arith.constant -32 : i32
    %and3A_180 = vector.broadcast %and3A_179 : i32 to vector<1024x128xi32>
    %and3A_181 = arith.andi %slice3A_178, %and3A_180 : vector<1024x128xi32>
    %or3A_182 = arith.constant 20 : i32
    %or3A_183 = vector.broadcast %or3A_182 : i32 to vector<1024x128xi32>
    %or3A_184 = arith.ori %and3A_181, %or3A_183 : vector<1024x128xi32>
    %bitcast_convert_type3A_185 = tpu.bitcast %or3A_184 : vector<1024x128xi32> -> vector<1024x128xf32>
    %slice3A_186 = vector.extract_strided_slice %bitcast_convert_type3A {offsets = [0, 2688], sizes = [1024, 128], strides = [1, 1]} : vector<1024x4096xi32> to vector<1024x128xi32>
    %and3A_187 = arith.constant -32 : i32
    %and3A_188 = vector.broadcast %and3A_187 : i32 to vector<1024x128xi32>
    %and3A_189 = arith.andi %slice3A_186, %and3A_188 : vector<1024x128xi32>
    %or3A_190 = arith.constant 21 : i32
    %or3A_191 = vector.broadcast %or3A_190 : i32 to vector<1024x128xi32>
    %or3A_192 = arith.ori %and3A_189, %or3A_191 : vector<1024x128xi32>
    %bitcast_convert_type3A_193 = tpu.bitcast %or3A_192 : vector<1024x128xi32> -> vector<1024x128xf32>
    %slice3A_194 = vector.extract_strided_slice %bitcast_convert_type3A {offsets = [0, 2816], sizes = [1024, 128], strides = [1, 1]} : vector<1024x4096xi32> to vector<1024x128xi32>
    %and3A_195 = arith.constant -32 : i32
    %and3A_196 = vector.broadcast %and3A_195 : i32 to vector<1024x128xi32>
    %and3A_197 = arith.andi %slice3A_194, %and3A_196 : vector<1024x128xi32>
    %or3A_198 = arith.constant 22 : i32
    %or3A_199 = vector.broadcast %or3A_198 : i32 to vector<1024x128xi32>
    %or3A_200 = arith.ori %and3A_197, %or3A_199 : vector<1024x128xi32>
    %bitcast_convert_type3A_201 = tpu.bitcast %or3A_200 : vector<1024x128xi32> -> vector<1024x128xf32>
    %slice3A_202 = vector.extract_strided_slice %bitcast_convert_type3A {offsets = [0, 2944], sizes = [1024, 128], strides = [1, 1]} : vector<1024x4096xi32> to vector<1024x128xi32>
    %and3A_203 = arith.constant -32 : i32
    %and3A_204 = vector.broadcast %and3A_203 : i32 to vector<1024x128xi32>
    %and3A_205 = arith.andi %slice3A_202, %and3A_204 : vector<1024x128xi32>
    %or3A_206 = arith.constant 23 : i32
    %or3A_207 = vector.broadcast %or3A_206 : i32 to vector<1024x128xi32>
    %or3A_208 = arith.ori %and3A_205, %or3A_207 : vector<1024x128xi32>
    %bitcast_convert_type3A_209 = tpu.bitcast %or3A_208 : vector<1024x128xi32> -> vector<1024x128xf32>
    %slice3A_210 = vector.extract_strided_slice %bitcast_convert_type3A {offsets = [0, 3072], sizes = [1024, 128], strides = [1, 1]} : vector<1024x4096xi32> to vector<1024x128xi32>
    %and3A_211 = arith.constant -32 : i32
    %and3A_212 = vector.broadcast %and3A_211 : i32 to vector<1024x128xi32>
    %and3A_213 = arith.andi %slice3A_210, %and3A_212 : vector<1024x128xi32>
    %or3A_214 = arith.constant 24 : i32
    %or3A_215 = vector.broadcast %or3A_214 : i32 to vector<1024x128xi32>
    %or3A_216 = arith.ori %and3A_213, %or3A_215 : vector<1024x128xi32>
    %bitcast_convert_type3A_217 = tpu.bitcast %or3A_216 : vector<1024x128xi32> -> vector<1024x128xf32>
    %slice3A_218 = vector.extract_strided_slice %bitcast_convert_type3A {offsets = [0, 3200], sizes = [1024, 128], strides = [1, 1]} : vector<1024x4096xi32> to vector<1024x128xi32>
    %and3A_219 = arith.constant -32 : i32
    %and3A_220 = vector.broadcast %and3A_219 : i32 to vector<1024x128xi32>
    %and3A_221 = arith.andi %slice3A_218, %and3A_220 : vector<1024x128xi32>
    %or3A_222 = arith.constant 25 : i32
    %or3A_223 = vector.broadcast %or3A_222 : i32 to vector<1024x128xi32>
    %or3A_224 = arith.ori %and3A_221, %or3A_223 : vector<1024x128xi32>
    %bitcast_convert_type3A_225 = tpu.bitcast %or3A_224 : vector<1024x128xi32> -> vector<1024x128xf32>
    %slice3A_226 = vector.extract_strided_slice %bitcast_convert_type3A {offsets = [0, 3328], sizes = [1024, 128], strides = [1, 1]} : vector<1024x4096xi32> to vector<1024x128xi32>
    %and3A_227 = arith.constant -32 : i32
    %and3A_228 = vector.broadcast %and3A_227 : i32 to vector<1024x128xi32>
    %and3A_229 = arith.andi %slice3A_226, %and3A_228 : vector<1024x128xi32>
    %or3A_230 = arith.constant 26 : i32
    %or3A_231 = vector.broadcast %or3A_230 : i32 to vector<1024x128xi32>
    %or3A_232 = arith.ori %and3A_229, %or3A_231 : vector<1024x128xi32>
    %bitcast_convert_type3A_233 = tpu.bitcast %or3A_232 : vector<1024x128xi32> -> vector<1024x128xf32>
    %slice3A_234 = vector.extract_strided_slice %bitcast_convert_type3A {offsets = [0, 3456], sizes = [1024, 128], strides = [1, 1]} : vector<1024x4096xi32> to vector<1024x128xi32>
    %and3A_235 = arith.constant -32 : i32
    %and3A_236 = vector.broadcast %and3A_235 : i32 to vector<1024x128xi32>
    %and3A_237 = arith.andi %slice3A_234, %and3A_236 : vector<1024x128xi32>
    %or3A_238 = arith.constant 27 : i32
    %or3A_239 = vector.broadcast %or3A_238 : i32 to vector<1024x128xi32>
    %or3A_240 = arith.ori %and3A_237, %or3A_239 : vector<1024x128xi32>
    %bitcast_convert_type3A_241 = tpu.bitcast %or3A_240 : vector<1024x128xi32> -> vector<1024x128xf32>
    %slice3A_242 = vector.extract_strided_slice %bitcast_convert_type3A {offsets = [0, 3584], sizes = [1024, 128], strides = [1, 1]} : vector<1024x4096xi32> to vector<1024x128xi32>
    %and3A_243 = arith.constant -32 : i32
    %and3A_244 = vector.broadcast %and3A_243 : i32 to vector<1024x128xi32>
    %and3A_245 = arith.andi %slice3A_242, %and3A_244 : vector<1024x128xi32>
    %or3A_246 = arith.constant 28 : i32
    %or3A_247 = vector.broadcast %or3A_246 : i32 to vector<1024x128xi32>
    %or3A_248 = arith.ori %and3A_245, %or3A_247 : vector<1024x128xi32>
    %bitcast_convert_type3A_249 = tpu.bitcast %or3A_248 : vector<1024x128xi32> -> vector<1024x128xf32>
    %slice3A_250 = vector.extract_strided_slice %bitcast_convert_type3A {offsets = [0, 3712], sizes = [1024, 128], strides = [1, 1]} : vector<1024x4096xi32> to vector<1024x128xi32>
    %and3A_251 = arith.constant -32 : i32
    %and3A_252 = vector.broadcast %and3A_251 : i32 to vector<1024x128xi32>
    %and3A_253 = arith.andi %slice3A_250, %and3A_252 : vector<1024x128xi32>
    %or3A_254 = arith.constant 29 : i32
    %or3A_255 = vector.broadcast %or3A_254 : i32 to vector<1024x128xi32>
    %or3A_256 = arith.ori %and3A_253, %or3A_255 : vector<1024x128xi32>
    %bitcast_convert_type3A_257 = tpu.bitcast %or3A_256 : vector<1024x128xi32> -> vector<1024x128xf32>
    %slice3A_258 = vector.extract_strided_slice %bitcast_convert_type3A {offsets = [0, 3840], sizes = [1024, 128], strides = [1, 1]} : vector<1024x4096xi32> to vector<1024x128xi32>
    %and3A_259 = arith.constant -32 : i32
    %and3A_260 = vector.broadcast %and3A_259 : i32 to vector<1024x128xi32>
    %and3A_261 = arith.andi %slice3A_258, %and3A_260 : vector<1024x128xi32>
    %or3A_262 = arith.constant 30 : i32
    %or3A_263 = vector.broadcast %or3A_262 : i32 to vector<1024x128xi32>
    %or3A_264 = arith.ori %and3A_261, %or3A_263 : vector<1024x128xi32>
    %bitcast_convert_type3A_265 = tpu.bitcast %or3A_264 : vector<1024x128xi32> -> vector<1024x128xf32>
    %slice3A_266 = vector.extract_strided_slice %bitcast_convert_type3A {offsets = [0, 3968], sizes = [1024, 128], strides = [1, 1]} : vector<1024x4096xi32> to vector<1024x128xi32>
    %and3A_267 = arith.constant -32 : i32
    %and3A_268 = vector.broadcast %and3A_267 : i32 to vector<1024x128xi32>
    %and3A_269 = arith.andi %slice3A_266, %and3A_268 : vector<1024x128xi32>
    %or3A_270 = arith.constant 31 : i32
    %or3A_271 = vector.broadcast %or3A_270 : i32 to vector<1024x128xi32>
    %or3A_272 = arith.ori %and3A_269, %or3A_271 : vector<1024x128xi32>
    %bitcast_convert_type3A_273 = tpu.bitcast %or3A_272 : vector<1024x128xi32> -> vector<1024x128xf32>
    %min3A = arith.minimumf %bitcast_convert_type3A_25, %bitcast_convert_type3A_33 : vector<1024x128xf32>
    %max3A_274 = arith.maximumf %bitcast_convert_type3A_25, %bitcast_convert_type3A_33 : vector<1024x128xf32>
    %min3A_275 = arith.minimumf %bitcast_convert_type3A_41, %bitcast_convert_type3A_49 : vector<1024x128xf32>
    %max3A_276 = arith.maximumf %bitcast_convert_type3A_41, %bitcast_convert_type3A_49 : vector<1024x128xf32>
    %min3A_277 = arith.minimumf %bitcast_convert_type3A_57, %bitcast_convert_type3A_65 : vector<1024x128xf32>
    %max3A_278 = arith.maximumf %bitcast_convert_type3A_57, %bitcast_convert_type3A_65 : vector<1024x128xf32>
    %min3A_279 = arith.minimumf %bitcast_convert_type3A_73, %bitcast_convert_type3A_81 : vector<1024x128xf32>
    %max3A_280 = arith.maximumf %bitcast_convert_type3A_73, %bitcast_convert_type3A_81 : vector<1024x128xf32>
    %min3A_281 = arith.minimumf %bitcast_convert_type3A_89, %bitcast_convert_type3A_97 : vector<1024x128xf32>
    %max3A_282 = arith.maximumf %bitcast_convert_type3A_89, %bitcast_convert_type3A_97 : vector<1024x128xf32>
    %min3A_283 = arith.minimumf %bitcast_convert_type3A_105, %bitcast_convert_type3A_113 : vector<1024x128xf32>
    %max3A_284 = arith.maximumf %bitcast_convert_type3A_105, %bitcast_convert_type3A_113 : vector<1024x128xf32>
    %min3A_285 = arith.minimumf %bitcast_convert_type3A_121, %bitcast_convert_type3A_129 : vector<1024x128xf32>
    %max3A_286 = arith.maximumf %bitcast_convert_type3A_121, %bitcast_convert_type3A_129 : vector<1024x128xf32>
    %min3A_287 = arith.minimumf %bitcast_convert_type3A_137, %bitcast_convert_type3A_145 : vector<1024x128xf32>
    %max3A_288 = arith.maximumf %bitcast_convert_type3A_137, %bitcast_convert_type3A_145 : vector<1024x128xf32>
    %min3A_289 = arith.minimumf %bitcast_convert_type3A_153, %bitcast_convert_type3A_161 : vector<1024x128xf32>
    %max3A_290 = arith.maximumf %bitcast_convert_type3A_153, %bitcast_convert_type3A_161 : vector<1024x128xf32>
    %min3A_291 = arith.minimumf %bitcast_convert_type3A_169, %bitcast_convert_type3A_177 : vector<1024x128xf32>
    %max3A_292 = arith.maximumf %bitcast_convert_type3A_169, %bitcast_convert_type3A_177 : vector<1024x128xf32>
    %min3A_293 = arith.minimumf %bitcast_convert_type3A_185, %bitcast_convert_type3A_193 : vector<1024x128xf32>
    %max3A_294 = arith.maximumf %bitcast_convert_type3A_185, %bitcast_convert_type3A_193 : vector<1024x128xf32>
    %min3A_295 = arith.minimumf %bitcast_convert_type3A_201, %bitcast_convert_type3A_209 : vector<1024x128xf32>
    %max3A_296 = arith.maximumf %bitcast_convert_type3A_201, %bitcast_convert_type3A_209 : vector<1024x128xf32>
    %min3A_297 = arith.minimumf %bitcast_convert_type3A_217, %bitcast_convert_type3A_225 : vector<1024x128xf32>
    %max3A_298 = arith.maximumf %bitcast_convert_type3A_217, %bitcast_convert_type3A_225 : vector<1024x128xf32>
    %min3A_299 = arith.minimumf %bitcast_convert_type3A_233, %bitcast_convert_type3A_241 : vector<1024x128xf32>
    %max3A_300 = arith.maximumf %bitcast_convert_type3A_233, %bitcast_convert_type3A_241 : vector<1024x128xf32>
    %min3A_301 = arith.minimumf %bitcast_convert_type3A_249, %bitcast_convert_type3A_257 : vector<1024x128xf32>
    %max3A_302 = arith.maximumf %bitcast_convert_type3A_249, %bitcast_convert_type3A_257 : vector<1024x128xf32>
    %min3A_303 = arith.minimumf %bitcast_convert_type3A_265, %bitcast_convert_type3A_273 : vector<1024x128xf32>
    %max3A_304 = arith.maximumf %bitcast_convert_type3A_265, %bitcast_convert_type3A_273 : vector<1024x128xf32>
    %min3A_305 = arith.minimumf %min3A, %max3A_276 : vector<1024x128xf32>
    %max3A_306 = arith.maximumf %min3A, %max3A_276 : vector<1024x128xf32>
    %min3A_307 = arith.minimumf %max3A_274, %min3A_275 : vector<1024x128xf32>
    %max3A_308 = arith.maximumf %max3A_274, %min3A_275 : vector<1024x128xf32>
    %min3A_309 = arith.minimumf %min3A_305, %min3A_307 : vector<1024x128xf32>
    %max3A_310 = arith.maximumf %min3A_305, %min3A_307 : vector<1024x128xf32>
    %min3A_311 = arith.minimumf %max3A_306, %max3A_308 : vector<1024x128xf32>
    %max3A_312 = arith.maximumf %max3A_306, %max3A_308 : vector<1024x128xf32>
    %min3A_313 = arith.minimumf %min3A_277, %max3A_280 : vector<1024x128xf32>
    %max3A_314 = arith.maximumf %min3A_277, %max3A_280 : vector<1024x128xf32>
    %min3A_315 = arith.minimumf %max3A_278, %min3A_279 : vector<1024x128xf32>
    %max3A_316 = arith.maximumf %max3A_278, %min3A_279 : vector<1024x128xf32>
    %min3A_317 = arith.minimumf %min3A_313, %min3A_315 : vector<1024x128xf32>
    %max3A_318 = arith.maximumf %min3A_313, %min3A_315 : vector<1024x128xf32>
    %min3A_319 = arith.minimumf %max3A_314, %max3A_316 : vector<1024x128xf32>
    %max3A_320 = arith.maximumf %max3A_314, %max3A_316 : vector<1024x128xf32>
    %min3A_321 = arith.minimumf %min3A_281, %max3A_284 : vector<1024x128xf32>
    %max3A_322 = arith.maximumf %min3A_281, %max3A_284 : vector<1024x128xf32>
    %min3A_323 = arith.minimumf %max3A_282, %min3A_283 : vector<1024x128xf32>
    %max3A_324 = arith.maximumf %max3A_282, %min3A_283 : vector<1024x128xf32>
    %min3A_325 = arith.minimumf %min3A_321, %min3A_323 : vector<1024x128xf32>
    %max3A_326 = arith.maximumf %min3A_321, %min3A_323 : vector<1024x128xf32>
    %min3A_327 = arith.minimumf %max3A_322, %max3A_324 : vector<1024x128xf32>
    %max3A_328 = arith.maximumf %max3A_322, %max3A_324 : vector<1024x128xf32>
    %min3A_329 = arith.minimumf %min3A_285, %max3A_288 : vector<1024x128xf32>
    %max3A_330 = arith.maximumf %min3A_285, %max3A_288 : vector<1024x128xf32>
    %min3A_331 = arith.minimumf %max3A_286, %min3A_287 : vector<1024x128xf32>
    %max3A_332 = arith.maximumf %max3A_286, %min3A_287 : vector<1024x128xf32>
    %min3A_333 = arith.minimumf %min3A_329, %min3A_331 : vector<1024x128xf32>
    %max3A_334 = arith.maximumf %min3A_329, %min3A_331 : vector<1024x128xf32>
    %min3A_335 = arith.minimumf %max3A_330, %max3A_332 : vector<1024x128xf32>
    %max3A_336 = arith.maximumf %max3A_330, %max3A_332 : vector<1024x128xf32>
    %min3A_337 = arith.minimumf %min3A_289, %max3A_292 : vector<1024x128xf32>
    %max3A_338 = arith.maximumf %min3A_289, %max3A_292 : vector<1024x128xf32>
    %min3A_339 = arith.minimumf %max3A_290, %min3A_291 : vector<1024x128xf32>
    %max3A_340 = arith.maximumf %max3A_290, %min3A_291 : vector<1024x128xf32>
    %min3A_341 = arith.minimumf %min3A_337, %min3A_339 : vector<1024x128xf32>
    %max3A_342 = arith.maximumf %min3A_337, %min3A_339 : vector<1024x128xf32>
    %min3A_343 = arith.minimumf %max3A_338, %max3A_340 : vector<1024x128xf32>
    %max3A_344 = arith.maximumf %max3A_338, %max3A_340 : vector<1024x128xf32>
    %min3A_345 = arith.minimumf %min3A_293, %max3A_296 : vector<1024x128xf32>
    %max3A_346 = arith.maximumf %min3A_293, %max3A_296 : vector<1024x128xf32>
    %min3A_347 = arith.minimumf %max3A_294, %min3A_295 : vector<1024x128xf32>
    %max3A_348 = arith.maximumf %max3A_294, %min3A_295 : vector<1024x128xf32>
    %min3A_349 = arith.minimumf %min3A_345, %min3A_347 : vector<1024x128xf32>
    %max3A_350 = arith.maximumf %min3A_345, %min3A_347 : vector<1024x128xf32>
    %min3A_351 = arith.minimumf %max3A_346, %max3A_348 : vector<1024x128xf32>
    %max3A_352 = arith.maximumf %max3A_346, %max3A_348 : vector<1024x128xf32>
    %min3A_353 = arith.minimumf %min3A_297, %max3A_300 : vector<1024x128xf32>
    %max3A_354 = arith.maximumf %min3A_297, %max3A_300 : vector<1024x128xf32>
    %min3A_355 = arith.minimumf %max3A_298, %min3A_299 : vector<1024x128xf32>
    %max3A_356 = arith.maximumf %max3A_298, %min3A_299 : vector<1024x128xf32>
    %min3A_357 = arith.minimumf %min3A_353, %min3A_355 : vector<1024x128xf32>
    %max3A_358 = arith.maximumf %min3A_353, %min3A_355 : vector<1024x128xf32>
    %min3A_359 = arith.minimumf %max3A_354, %max3A_356 : vector<1024x128xf32>
    %max3A_360 = arith.maximumf %max3A_354, %max3A_356 : vector<1024x128xf32>
    %min3A_361 = arith.minimumf %min3A_301, %max3A_304 : vector<1024x128xf32>
    %max3A_362 = arith.maximumf %min3A_301, %max3A_304 : vector<1024x128xf32>
    %min3A_363 = arith.minimumf %max3A_302, %min3A_303 : vector<1024x128xf32>
    %max3A_364 = arith.maximumf %max3A_302, %min3A_303 : vector<1024x128xf32>
    %min3A_365 = arith.minimumf %min3A_361, %min3A_363 : vector<1024x128xf32>
    %max3A_366 = arith.maximumf %min3A_361, %min3A_363 : vector<1024x128xf32>
    %min3A_367 = arith.minimumf %max3A_362, %max3A_364 : vector<1024x128xf32>
    %max3A_368 = arith.maximumf %max3A_362, %max3A_364 : vector<1024x128xf32>
    %min3A_369 = arith.minimumf %min3A_309, %max3A_320 : vector<1024x128xf32>
    %min3A_370 = arith.minimumf %max3A_310, %min3A_319 : vector<1024x128xf32>
    %min3A_371 = arith.minimumf %min3A_311, %max3A_318 : vector<1024x128xf32>
    %min3A_372 = arith.minimumf %max3A_312, %min3A_317 : vector<1024x128xf32>
    %min3A_373 = arith.minimumf %min3A_369, %min3A_371 : vector<1024x128xf32>
    %max3A_374 = arith.maximumf %min3A_369, %min3A_371 : vector<1024x128xf32>
    %min3A_375 = arith.minimumf %min3A_370, %min3A_372 : vector<1024x128xf32>
    %max3A_376 = arith.maximumf %min3A_370, %min3A_372 : vector<1024x128xf32>
    %min3A_377 = arith.minimumf %min3A_373, %min3A_375 : vector<1024x128xf32>
    %max3A_378 = arith.maximumf %min3A_373, %min3A_375 : vector<1024x128xf32>
    %min3A_379 = arith.minimumf %max3A_374, %max3A_376 : vector<1024x128xf32>
    %max3A_380 = arith.maximumf %max3A_374, %max3A_376 : vector<1024x128xf32>
    %min3A_381 = arith.minimumf %min3A_325, %max3A_336 : vector<1024x128xf32>
    %min3A_382 = arith.minimumf %max3A_326, %min3A_335 : vector<1024x128xf32>
    %min3A_383 = arith.minimumf %min3A_327, %max3A_334 : vector<1024x128xf32>
    %min3A_384 = arith.minimumf %max3A_328, %min3A_333 : vector<1024x128xf32>
    %min3A_385 = arith.minimumf %min3A_381, %min3A_383 : vector<1024x128xf32>
    %max3A_386 = arith.maximumf %min3A_381, %min3A_383 : vector<1024x128xf32>
    %min3A_387 = arith.minimumf %min3A_382, %min3A_384 : vector<1024x128xf32>
    %max3A_388 = arith.maximumf %min3A_382, %min3A_384 : vector<1024x128xf32>
    %min3A_389 = arith.minimumf %min3A_385, %min3A_387 : vector<1024x128xf32>
    %max3A_390 = arith.maximumf %min3A_385, %min3A_387 : vector<1024x128xf32>
    %min3A_391 = arith.minimumf %max3A_386, %max3A_388 : vector<1024x128xf32>
    %max3A_392 = arith.maximumf %max3A_386, %max3A_388 : vector<1024x128xf32>
    %min3A_393 = arith.minimumf %min3A_341, %max3A_352 : vector<1024x128xf32>
    %min3A_394 = arith.minimumf %max3A_342, %min3A_351 : vector<1024x128xf32>
    %min3A_395 = arith.minimumf %min3A_343, %max3A_350 : vector<1024x128xf32>
    %min3A_396 = arith.minimumf %max3A_344, %min3A_349 : vector<1024x128xf32>
    %min3A_397 = arith.minimumf %min3A_393, %min3A_395 : vector<1024x128xf32>
    %max3A_398 = arith.maximumf %min3A_393, %min3A_395 : vector<1024x128xf32>
    %min3A_399 = arith.minimumf %min3A_394, %min3A_396 : vector<1024x128xf32>
    %max3A_400 = arith.maximumf %min3A_394, %min3A_396 : vector<1024x128xf32>
    %min3A_401 = arith.minimumf %min3A_397, %min3A_399 : vector<1024x128xf32>
    %max3A_402 = arith.maximumf %min3A_397, %min3A_399 : vector<1024x128xf32>
    %min3A_403 = arith.minimumf %max3A_398, %max3A_400 : vector<1024x128xf32>
    %max3A_404 = arith.maximumf %max3A_398, %max3A_400 : vector<1024x128xf32>
    %min3A_405 = arith.minimumf %min3A_357, %max3A_368 : vector<1024x128xf32>
    %min3A_406 = arith.minimumf %max3A_358, %min3A_367 : vector<1024x128xf32>
    %min3A_407 = arith.minimumf %min3A_359, %max3A_366 : vector<1024x128xf32>
    %min3A_408 = arith.minimumf %max3A_360, %min3A_365 : vector<1024x128xf32>
    %min3A_409 = arith.minimumf %min3A_405, %min3A_407 : vector<1024x128xf32>
    %max3A_410 = arith.maximumf %min3A_405, %min3A_407 : vector<1024x128xf32>
    %min3A_411 = arith.minimumf %min3A_406, %min3A_408 : vector<1024x128xf32>
    %max3A_412 = arith.maximumf %min3A_406, %min3A_408 : vector<1024x128xf32>
    %min3A_413 = arith.minimumf %min3A_409, %min3A_411 : vector<1024x128xf32>
    %max3A_414 = arith.maximumf %min3A_409, %min3A_411 : vector<1024x128xf32>
    %min3A_415 = arith.minimumf %max3A_410, %max3A_412 : vector<1024x128xf32>
    %max3A_416 = arith.maximumf %max3A_410, %max3A_412 : vector<1024x128xf32>
    %min3A_417 = arith.minimumf %min3A_377, %max3A_392 : vector<1024x128xf32>
    %min3A_418 = arith.minimumf %max3A_378, %min3A_391 : vector<1024x128xf32>
    %min3A_419 = arith.minimumf %min3A_379, %max3A_390 : vector<1024x128xf32>
    %min3A_420 = arith.minimumf %max3A_380, %min3A_389 : vector<1024x128xf32>
    %min3A_421 = arith.minimumf %min3A_417, %min3A_419 : vector<1024x128xf32>
    %max3A_422 = arith.maximumf %min3A_417, %min3A_419 : vector<1024x128xf32>
    %min3A_423 = arith.minimumf %min3A_418, %min3A_420 : vector<1024x128xf32>
    %max3A_424 = arith.maximumf %min3A_418, %min3A_420 : vector<1024x128xf32>
    %min3A_425 = arith.minimumf %min3A_421, %min3A_423 : vector<1024x128xf32>
    %max3A_426 = arith.maximumf %min3A_421, %min3A_423 : vector<1024x128xf32>
    %min3A_427 = arith.minimumf %max3A_422, %max3A_424 : vector<1024x128xf32>
    %max3A_428 = arith.maximumf %max3A_422, %max3A_424 : vector<1024x128xf32>
    %min3A_429 = arith.minimumf %min3A_401, %max3A_416 : vector<1024x128xf32>
    %min3A_430 = arith.minimumf %max3A_402, %min3A_415 : vector<1024x128xf32>
    %min3A_431 = arith.minimumf %min3A_403, %max3A_414 : vector<1024x128xf32>
    %min3A_432 = arith.minimumf %max3A_404, %min3A_413 : vector<1024x128xf32>
    %min3A_433 = arith.minimumf %min3A_429, %min3A_431 : vector<1024x128xf32>
    %max3A_434 = arith.maximumf %min3A_429, %min3A_431 : vector<1024x128xf32>
    %min3A_435 = arith.minimumf %min3A_430, %min3A_432 : vector<1024x128xf32>
    %max3A_436 = arith.maximumf %min3A_430, %min3A_432 : vector<1024x128xf32>
    %min3A_437 = arith.minimumf %min3A_433, %min3A_435 : vector<1024x128xf32>
    %max3A_438 = arith.maximumf %min3A_433, %min3A_435 : vector<1024x128xf32>
    %min3A_439 = arith.minimumf %max3A_434, %max3A_436 : vector<1024x128xf32>
    %max3A_440 = arith.maximumf %max3A_434, %max3A_436 : vector<1024x128xf32>
    %min3A_441 = arith.minimumf %min3A_425, %max3A_440 : vector<1024x128xf32>
    %min3A_442 = arith.minimumf %max3A_426, %min3A_439 : vector<1024x128xf32>
    %min3A_443 = arith.minimumf %min3A_427, %max3A_438 : vector<1024x128xf32>
    %min3A_444 = arith.minimumf %max3A_428, %min3A_437 : vector<1024x128xf32>
    %min3A_445 = arith.minimumf %min3A_441, %min3A_443 : vector<1024x128xf32>
    %max3A_446 = arith.maximumf %min3A_441, %min3A_443 : vector<1024x128xf32>
    %min3A_447 = arith.minimumf %min3A_442, %min3A_444 : vector<1024x128xf32>
    %max3A_448 = arith.maximumf %min3A_442, %min3A_444 : vector<1024x128xf32>
    %min3A_449 = arith.minimumf %min3A_445, %min3A_447 : vector<1024x128xf32>
    %max3A_450 = arith.maximumf %min3A_445, %min3A_447 : vector<1024x128xf32>
    %min3A_451 = arith.minimumf %max3A_446, %max3A_448 : vector<1024x128xf32>
    %max3A_452 = arith.maximumf %max3A_446, %max3A_448 : vector<1024x128xf32>
    %iota3A = tpu.iota {dimensions = array<i32: 1>} : vector<1024x128xi32>
    %convert_element_type3A = arith.sitofp %iota3A : vector<1024x128xi32> to vector<1024x128xf32>
    %reduce_min3A = arith.constant dense<0x7F800000> : vector<1024xf32>
    %reduce_min3A_453 = vector.multi_reduction <minimumf>, %min3A_449, %reduce_min3A [1] : vector<1024x128xf32> to vector<1024xf32>
    %broadcast_in_dim3A_454 = vector.shape_cast %reduce_min3A_453 : vector<1024xf32> to vector<1024x1xf32>
    %eq3A = vector.broadcast %broadcast_in_dim3A_454 : vector<1024x1xf32> to vector<1024x128xf32>
    %eq3A_455 = arith.cmpf oeq, %min3A_449, %eq3A : vector<1024x128xf32>
    %jit3A = arith.constant 1.280000e+02 : f32
    %broadcast_in_dim3A_456 = vector.broadcast %jit3A : f32 to vector<1024x128xf32>
    %select_n3A = arith.select %eq3A_455, %convert_element_type3A, %broadcast_in_dim3A_456 : vector<1024x128xi1>, vector<1024x128xf32>
    %reduce_min3A_457 = arith.constant dense<0x7F800000> : vector<1024xf32>
    %reduce_min3A_458 = vector.multi_reduction <minimumf>, %select_n3A, %reduce_min3A_457 [1] : vector<1024x128xf32> to vector<1024xf32>
    %broadcast_in_dim3A_459 = vector.shape_cast %reduce_min3A_458 : vector<1024xf32> to vector<1024x1xf32>
    %eq3A_460 = vector.broadcast %broadcast_in_dim3A_459 : vector<1024x1xf32> to vector<1024x128xf32>
    %eq3A_461 = arith.cmpf oeq, %convert_element_type3A, %eq3A_460 : vector<1024x128xf32>
    %select_n3A_462 = arith.select %eq3A_461, %max3A_450, %min3A_449 : vector<1024x128xi1>, vector<1024x128xf32>
    %select_n3A_463 = arith.select %eq3A_461, %min3A_451, %max3A_450 : vector<1024x128xi1>, vector<1024x128xf32>
    %select_n3A_464 = arith.select %eq3A_461, %max3A_452, %min3A_451 : vector<1024x128xi1>, vector<1024x128xf32>
    %broadcast_in_dim3A_465 = vector.broadcast %bitcast_convert_type3A_20 : f32 to vector<1024x128xf32>
    %select_n3A_466 = arith.select %eq3A_461, %broadcast_in_dim3A_465, %max3A_452 : vector<1024x128xi1>, vector<1024x128xf32>
    %reduce_min3A_467 = arith.constant dense<0x7F800000> : vector<1024xf32>
    %reduce_min3A_468 = vector.multi_reduction <minimumf>, %select_n3A_462, %reduce_min3A_467 [1] : vector<1024x128xf32> to vector<1024xf32>
    %broadcast_in_dim3A_469 = vector.shape_cast %reduce_min3A_468 : vector<1024xf32> to vector<1024x1xf32>
    %eq3A_470 = vector.broadcast %broadcast_in_dim3A_469 : vector<1024x1xf32> to vector<1024x128xf32>
    %eq3A_471 = arith.cmpf oeq, %select_n3A_462, %eq3A_470 : vector<1024x128xf32>
    %jit3A_472 = arith.constant 1.280000e+02 : f32
    %broadcast_in_dim3A_473 = vector.broadcast %jit3A_472 : f32 to vector<1024x128xf32>
    %select_n3A_474 = arith.select %eq3A_471, %convert_element_type3A, %broadcast_in_dim3A_473 : vector<1024x128xi1>, vector<1024x128xf32>
    %reduce_min3A_475 = arith.constant dense<0x7F800000> : vector<1024xf32>
    %reduce_min3A_476 = vector.multi_reduction <minimumf>, %select_n3A_474, %reduce_min3A_475 [1] : vector<1024x128xf32> to vector<1024xf32>
    %broadcast_in_dim3A_477 = vector.shape_cast %reduce_min3A_476 : vector<1024xf32> to vector<1024x1xf32>
    %eq3A_478 = vector.broadcast %broadcast_in_dim3A_477 : vector<1024x1xf32> to vector<1024x128xf32>
    %eq3A_479 = arith.cmpf oeq, %convert_element_type3A, %eq3A_478 : vector<1024x128xf32>
    %select_n3A_480 = arith.select %eq3A_479, %select_n3A_463, %select_n3A_462 : vector<1024x128xi1>, vector<1024x128xf32>
    %select_n3A_481 = arith.select %eq3A_479, %select_n3A_464, %select_n3A_463 : vector<1024x128xi1>, vector<1024x128xf32>
    %select_n3A_482 = arith.select %eq3A_479, %select_n3A_466, %select_n3A_464 : vector<1024x128xi1>, vector<1024x128xf32>
    %broadcast_in_dim3A_483 = vector.broadcast %bitcast_convert_type3A_20 : f32 to vector<1024x128xf32>
    %select_n3A_484 = arith.select %eq3A_479, %broadcast_in_dim3A_483, %select_n3A_466 : vector<1024x128xi1>, vector<1024x128xf32>
    %reduce_min3A_485 = arith.constant dense<0x7F800000> : vector<1024xf32>
    %reduce_min3A_486 = vector.multi_reduction <minimumf>, %select_n3A_480, %reduce_min3A_485 [1] : vector<1024x128xf32> to vector<1024xf32>
    %broadcast_in_dim3A_487 = vector.shape_cast %reduce_min3A_486 : vector<1024xf32> to vector<1024x1xf32>
    %eq3A_488 = vector.broadcast %broadcast_in_dim3A_487 : vector<1024x1xf32> to vector<1024x128xf32>
    %eq3A_489 = arith.cmpf oeq, %select_n3A_480, %eq3A_488 : vector<1024x128xf32>
    %jit3A_490 = arith.constant 1.280000e+02 : f32
    %broadcast_in_dim3A_491 = vector.broadcast %jit3A_490 : f32 to vector<1024x128xf32>
    %select_n3A_492 = arith.select %eq3A_489, %convert_element_type3A, %broadcast_in_dim3A_491 : vector<1024x128xi1>, vector<1024x128xf32>
    %reduce_min3A_493 = arith.constant dense<0x7F800000> : vector<1024xf32>
    %reduce_min3A_494 = vector.multi_reduction <minimumf>, %select_n3A_492, %reduce_min3A_493 [1] : vector<1024x128xf32> to vector<1024xf32>
    %broadcast_in_dim3A_495 = vector.shape_cast %reduce_min3A_494 : vector<1024xf32> to vector<1024x1xf32>
    %eq3A_496 = vector.broadcast %broadcast_in_dim3A_495 : vector<1024x1xf32> to vector<1024x128xf32>
    %eq3A_497 = arith.cmpf oeq, %convert_element_type3A, %eq3A_496 : vector<1024x128xf32>
    %select_n3A_498 = arith.select %eq3A_497, %select_n3A_481, %select_n3A_480 : vector<1024x128xi1>, vector<1024x128xf32>
    %select_n3A_499 = arith.select %eq3A_497, %select_n3A_482, %select_n3A_481 : vector<1024x128xi1>, vector<1024x128xf32>
    %select_n3A_500 = arith.select %eq3A_497, %select_n3A_484, %select_n3A_482 : vector<1024x128xi1>, vector<1024x128xf32>
    %broadcast_in_dim3A_501 = vector.broadcast %bitcast_convert_type3A_20 : f32 to vector<1024x128xf32>
    %select_n3A_502 = arith.select %eq3A_497, %broadcast_in_dim3A_501, %select_n3A_484 : vector<1024x128xi1>, vector<1024x128xf32>
    %reduce_min3A_503 = arith.constant dense<0x7F800000> : vector<1024xf32>
    %reduce_min3A_504 = vector.multi_reduction <minimumf>, %select_n3A_498, %reduce_min3A_503 [1] : vector<1024x128xf32> to vector<1024xf32>
    %broadcast_in_dim3A_505 = vector.shape_cast %reduce_min3A_504 : vector<1024xf32> to vector<1024x1xf32>
    %eq3A_506 = vector.broadcast %broadcast_in_dim3A_505 : vector<1024x1xf32> to vector<1024x128xf32>
    %eq3A_507 = arith.cmpf oeq, %select_n3A_498, %eq3A_506 : vector<1024x128xf32>
    %jit3A_508 = arith.constant 1.280000e+02 : f32
    %broadcast_in_dim3A_509 = vector.broadcast %jit3A_508 : f32 to vector<1024x128xf32>
    %select_n3A_510 = arith.select %eq3A_507, %convert_element_type3A, %broadcast_in_dim3A_509 : vector<1024x128xi1>, vector<1024x128xf32>
    %reduce_min3A_511 = arith.constant dense<0x7F800000> : vector<1024xf32>
    %reduce_min3A_512 = vector.multi_reduction <minimumf>, %select_n3A_510, %reduce_min3A_511 [1] : vector<1024x128xf32> to vector<1024xf32>
    %broadcast_in_dim3A_513 = vector.shape_cast %reduce_min3A_512 : vector<1024xf32> to vector<1024x1xf32>
    %eq3A_514 = vector.broadcast %broadcast_in_dim3A_513 : vector<1024x1xf32> to vector<1024x128xf32>
    %eq3A_515 = arith.cmpf oeq, %convert_element_type3A, %eq3A_514 : vector<1024x128xf32>
    %select_n3A_516 = arith.select %eq3A_515, %select_n3A_499, %select_n3A_498 : vector<1024x128xi1>, vector<1024x128xf32>
    %select_n3A_517 = arith.select %eq3A_515, %select_n3A_500, %select_n3A_499 : vector<1024x128xi1>, vector<1024x128xf32>
    %select_n3A_518 = arith.select %eq3A_515, %select_n3A_502, %select_n3A_500 : vector<1024x128xi1>, vector<1024x128xf32>
    %broadcast_in_dim3A_519 = vector.broadcast %bitcast_convert_type3A_20 : f32 to vector<1024x128xf32>
    %select_n3A_520 = arith.select %eq3A_515, %broadcast_in_dim3A_519, %select_n3A_502 : vector<1024x128xi1>, vector<1024x128xf32>
    %reduce_min3A_521 = arith.constant dense<0x7F800000> : vector<1024xf32>
    %reduce_min3A_522 = vector.multi_reduction <minimumf>, %select_n3A_516, %reduce_min3A_521 [1] : vector<1024x128xf32> to vector<1024xf32>
    %broadcast_in_dim3A_523 = vector.shape_cast %reduce_min3A_522 : vector<1024xf32> to vector<1024x1xf32>
    %eq3A_524 = vector.broadcast %broadcast_in_dim3A_523 : vector<1024x1xf32> to vector<1024x128xf32>
    %eq3A_525 = arith.cmpf oeq, %select_n3A_516, %eq3A_524 : vector<1024x128xf32>
    %jit3A_526 = arith.constant 1.280000e+02 : f32
    %broadcast_in_dim3A_527 = vector.broadcast %jit3A_526 : f32 to vector<1024x128xf32>
    %select_n3A_528 = arith.select %eq3A_525, %convert_element_type3A, %broadcast_in_dim3A_527 : vector<1024x128xi1>, vector<1024x128xf32>
    %reduce_min3A_529 = arith.constant dense<0x7F800000> : vector<1024xf32>
    %reduce_min3A_530 = vector.multi_reduction <minimumf>, %select_n3A_528, %reduce_min3A_529 [1] : vector<1024x128xf32> to vector<1024xf32>
    %broadcast_in_dim3A_531 = vector.shape_cast %reduce_min3A_530 : vector<1024xf32> to vector<1024x1xf32>
    %eq3A_532 = vector.broadcast %broadcast_in_dim3A_531 : vector<1024x1xf32> to vector<1024x128xf32>
    %eq3A_533 = arith.cmpf oeq, %convert_element_type3A, %eq3A_532 : vector<1024x128xf32>
    %select_n3A_534 = arith.select %eq3A_533, %select_n3A_517, %select_n3A_516 : vector<1024x128xi1>, vector<1024x128xf32>
    %select_n3A_535 = arith.select %eq3A_533, %select_n3A_518, %select_n3A_517 : vector<1024x128xi1>, vector<1024x128xf32>
    %select_n3A_536 = arith.select %eq3A_533, %select_n3A_520, %select_n3A_518 : vector<1024x128xi1>, vector<1024x128xf32>
    %broadcast_in_dim3A_537 = vector.broadcast %bitcast_convert_type3A_20 : f32 to vector<1024x128xf32>
    %select_n3A_538 = arith.select %eq3A_533, %broadcast_in_dim3A_537, %select_n3A_520 : vector<1024x128xi1>, vector<1024x128xf32>
    %reduce_min3A_539 = arith.constant dense<0x7F800000> : vector<1024xf32>
    %reduce_min3A_540 = vector.multi_reduction <minimumf>, %select_n3A_534, %reduce_min3A_539 [1] : vector<1024x128xf32> to vector<1024xf32>
    %broadcast_in_dim3A_541 = vector.shape_cast %reduce_min3A_540 : vector<1024xf32> to vector<1024x1xf32>
    %eq3A_542 = vector.broadcast %broadcast_in_dim3A_541 : vector<1024x1xf32> to vector<1024x128xf32>
    %eq3A_543 = arith.cmpf oeq, %select_n3A_534, %eq3A_542 : vector<1024x128xf32>
    %jit3A_544 = arith.constant 1.280000e+02 : f32
    %broadcast_in_dim3A_545 = vector.broadcast %jit3A_544 : f32 to vector<1024x128xf32>
    %select_n3A_546 = arith.select %eq3A_543, %convert_element_type3A, %broadcast_in_dim3A_545 : vector<1024x128xi1>, vector<1024x128xf32>
    %reduce_min3A_547 = arith.constant dense<0x7F800000> : vector<1024xf32>
    %reduce_min3A_548 = vector.multi_reduction <minimumf>, %select_n3A_546, %reduce_min3A_547 [1] : vector<1024x128xf32> to vector<1024xf32>
    %broadcast_in_dim3A_549 = vector.shape_cast %reduce_min3A_548 : vector<1024xf32> to vector<1024x1xf32>
    %eq3A_550 = vector.broadcast %broadcast_in_dim3A_549 : vector<1024x1xf32> to vector<1024x128xf32>
    %eq3A_551 = arith.cmpf oeq, %convert_element_type3A, %eq3A_550 : vector<1024x128xf32>
    %select_n3A_552 = arith.select %eq3A_551, %select_n3A_535, %select_n3A_534 : vector<1024x128xi1>, vector<1024x128xf32>
    %select_n3A_553 = arith.select %eq3A_551, %select_n3A_536, %select_n3A_535 : vector<1024x128xi1>, vector<1024x128xf32>
    %select_n3A_554 = arith.select %eq3A_551, %select_n3A_538, %select_n3A_536 : vector<1024x128xi1>, vector<1024x128xf32>
    %broadcast_in_dim3A_555 = vector.broadcast %bitcast_convert_type3A_20 : f32 to vector<1024x128xf32>
    %select_n3A_556 = arith.select %eq3A_551, %broadcast_in_dim3A_555, %select_n3A_538 : vector<1024x128xi1>, vector<1024x128xf32>
    %reduce_min3A_557 = arith.constant dense<0x7F800000> : vector<1024xf32>
    %reduce_min3A_558 = vector.multi_reduction <minimumf>, %select_n3A_552, %reduce_min3A_557 [1] : vector<1024x128xf32> to vector<1024xf32>
    %broadcast_in_dim3A_559 = vector.shape_cast %reduce_min3A_558 : vector<1024xf32> to vector<1024x1xf32>
    %eq3A_560 = vector.broadcast %broadcast_in_dim3A_559 : vector<1024x1xf32> to vector<1024x128xf32>
    %eq3A_561 = arith.cmpf oeq, %select_n3A_552, %eq3A_560 : vector<1024x128xf32>
    %jit3A_562 = arith.constant 1.280000e+02 : f32
    %broadcast_in_dim3A_563 = vector.broadcast %jit3A_562 : f32 to vector<1024x128xf32>
    %select_n3A_564 = arith.select %eq3A_561, %convert_element_type3A, %broadcast_in_dim3A_563 : vector<1024x128xi1>, vector<1024x128xf32>
    %reduce_min3A_565 = arith.constant dense<0x7F800000> : vector<1024xf32>
    %reduce_min3A_566 = vector.multi_reduction <minimumf>, %select_n3A_564, %reduce_min3A_565 [1] : vector<1024x128xf32> to vector<1024xf32>
    %broadcast_in_dim3A_567 = vector.shape_cast %reduce_min3A_566 : vector<1024xf32> to vector<1024x1xf32>
    %eq3A_568 = vector.broadcast %broadcast_in_dim3A_567 : vector<1024x1xf32> to vector<1024x128xf32>
    %eq3A_569 = arith.cmpf oeq, %convert_element_type3A, %eq3A_568 : vector<1024x128xf32>
    %select_n3A_570 = arith.select %eq3A_569, %select_n3A_553, %select_n3A_552 : vector<1024x128xi1>, vector<1024x128xf32>
    %select_n3A_571 = arith.select %eq3A_569, %select_n3A_554, %select_n3A_553 : vector<1024x128xi1>, vector<1024x128xf32>
    %select_n3A_572 = arith.select %eq3A_569, %select_n3A_556, %select_n3A_554 : vector<1024x128xi1>, vector<1024x128xf32>
    %broadcast_in_dim3A_573 = vector.broadcast %bitcast_convert_type3A_20 : f32 to vector<1024x128xf32>
    %select_n3A_574 = arith.select %eq3A_569, %broadcast_in_dim3A_573, %select_n3A_556 : vector<1024x128xi1>, vector<1024x128xf32>
    %reduce_min3A_575 = arith.constant dense<0x7F800000> : vector<1024xf32>
    %reduce_min3A_576 = vector.multi_reduction <minimumf>, %select_n3A_570, %reduce_min3A_575 [1] : vector<1024x128xf32> to vector<1024xf32>
    %broadcast_in_dim3A_577 = vector.shape_cast %reduce_min3A_576 : vector<1024xf32> to vector<1024x1xf32>
    %eq3A_578 = vector.broadcast %broadcast_in_dim3A_577 : vector<1024x1xf32> to vector<1024x128xf32>
    %eq3A_579 = arith.cmpf oeq, %select_n3A_570, %eq3A_578 : vector<1024x128xf32>
    %jit3A_580 = arith.constant 1.280000e+02 : f32
    %broadcast_in_dim3A_581 = vector.broadcast %jit3A_580 : f32 to vector<1024x128xf32>
    %select_n3A_582 = arith.select %eq3A_579, %convert_element_type3A, %broadcast_in_dim3A_581 : vector<1024x128xi1>, vector<1024x128xf32>
    %reduce_min3A_583 = arith.constant dense<0x7F800000> : vector<1024xf32>
    %reduce_min3A_584 = vector.multi_reduction <minimumf>, %select_n3A_582, %reduce_min3A_583 [1] : vector<1024x128xf32> to vector<1024xf32>
    %broadcast_in_dim3A_585 = vector.shape_cast %reduce_min3A_584 : vector<1024xf32> to vector<1024x1xf32>
    %eq3A_586 = vector.broadcast %broadcast_in_dim3A_585 : vector<1024x1xf32> to vector<1024x128xf32>
    %eq3A_587 = arith.cmpf oeq, %convert_element_type3A, %eq3A_586 : vector<1024x128xf32>
    %select_n3A_588 = arith.select %eq3A_587, %select_n3A_571, %select_n3A_570 : vector<1024x128xi1>, vector<1024x128xf32>
    %select_n3A_589 = arith.select %eq3A_587, %select_n3A_572, %select_n3A_571 : vector<1024x128xi1>, vector<1024x128xf32>
    %select_n3A_590 = arith.select %eq3A_587, %select_n3A_574, %select_n3A_572 : vector<1024x128xi1>, vector<1024x128xf32>
    %broadcast_in_dim3A_591 = vector.broadcast %bitcast_convert_type3A_20 : f32 to vector<1024x128xf32>
    %select_n3A_592 = arith.select %eq3A_587, %broadcast_in_dim3A_591, %select_n3A_574 : vector<1024x128xi1>, vector<1024x128xf32>
    %reduce_min3A_593 = arith.constant dense<0x7F800000> : vector<1024xf32>
    %reduce_min3A_594 = vector.multi_reduction <minimumf>, %select_n3A_588, %reduce_min3A_593 [1] : vector<1024x128xf32> to vector<1024xf32>
    %broadcast_in_dim3A_595 = vector.shape_cast %reduce_min3A_594 : vector<1024xf32> to vector<1024x1xf32>
    %eq3A_596 = vector.broadcast %broadcast_in_dim3A_595 : vector<1024x1xf32> to vector<1024x128xf32>
    %eq3A_597 = arith.cmpf oeq, %select_n3A_588, %eq3A_596 : vector<1024x128xf32>
    %jit3A_598 = arith.constant 1.280000e+02 : f32
    %broadcast_in_dim3A_599 = vector.broadcast %jit3A_598 : f32 to vector<1024x128xf32>
    %select_n3A_600 = arith.select %eq3A_597, %convert_element_type3A, %broadcast_in_dim3A_599 : vector<1024x128xi1>, vector<1024x128xf32>
    %reduce_min3A_601 = arith.constant dense<0x7F800000> : vector<1024xf32>
    %reduce_min3A_602 = vector.multi_reduction <minimumf>, %select_n3A_600, %reduce_min3A_601 [1] : vector<1024x128xf32> to vector<1024xf32>
    %broadcast_in_dim3A_603 = vector.shape_cast %reduce_min3A_602 : vector<1024xf32> to vector<1024x1xf32>
    %eq3A_604 = vector.broadcast %broadcast_in_dim3A_603 : vector<1024x1xf32> to vector<1024x128xf32>
    %eq3A_605 = arith.cmpf oeq, %convert_element_type3A, %eq3A_604 : vector<1024x128xf32>
    %select_n3A_606 = arith.select %eq3A_605, %select_n3A_589, %select_n3A_588 : vector<1024x128xi1>, vector<1024x128xf32>
    %select_n3A_607 = arith.select %eq3A_605, %select_n3A_590, %select_n3A_589 : vector<1024x128xi1>, vector<1024x128xf32>
    %select_n3A_608 = arith.select %eq3A_605, %select_n3A_592, %select_n3A_590 : vector<1024x128xi1>, vector<1024x128xf32>
    %broadcast_in_dim3A_609 = vector.broadcast %bitcast_convert_type3A_20 : f32 to vector<1024x128xf32>
    %select_n3A_610 = arith.select %eq3A_605, %broadcast_in_dim3A_609, %select_n3A_592 : vector<1024x128xi1>, vector<1024x128xf32>
    %reduce_min3A_611 = arith.constant dense<0x7F800000> : vector<1024xf32>
    %reduce_min3A_612 = vector.multi_reduction <minimumf>, %select_n3A_606, %reduce_min3A_611 [1] : vector<1024x128xf32> to vector<1024xf32>
    %broadcast_in_dim3A_613 = vector.shape_cast %reduce_min3A_612 : vector<1024xf32> to vector<1024x1xf32>
    %eq3A_614 = vector.broadcast %broadcast_in_dim3A_613 : vector<1024x1xf32> to vector<1024x128xf32>
    %eq3A_615 = arith.cmpf oeq, %select_n3A_606, %eq3A_614 : vector<1024x128xf32>
    %jit3A_616 = arith.constant 1.280000e+02 : f32
    %broadcast_in_dim3A_617 = vector.broadcast %jit3A_616 : f32 to vector<1024x128xf32>
    %select_n3A_618 = arith.select %eq3A_615, %convert_element_type3A, %broadcast_in_dim3A_617 : vector<1024x128xi1>, vector<1024x128xf32>
    %reduce_min3A_619 = arith.constant dense<0x7F800000> : vector<1024xf32>
    %reduce_min3A_620 = vector.multi_reduction <minimumf>, %select_n3A_618, %reduce_min3A_619 [1] : vector<1024x128xf32> to vector<1024xf32>
    %broadcast_in_dim3A_621 = vector.shape_cast %reduce_min3A_620 : vector<1024xf32> to vector<1024x1xf32>
    %eq3A_622 = vector.broadcast %broadcast_in_dim3A_621 : vector<1024x1xf32> to vector<1024x128xf32>
    %eq3A_623 = arith.cmpf oeq, %convert_element_type3A, %eq3A_622 : vector<1024x128xf32>
    %select_n3A_624 = arith.select %eq3A_623, %select_n3A_607, %select_n3A_606 : vector<1024x128xi1>, vector<1024x128xf32>
    %select_n3A_625 = arith.select %eq3A_623, %select_n3A_608, %select_n3A_607 : vector<1024x128xi1>, vector<1024x128xf32>
    %select_n3A_626 = arith.select %eq3A_623, %select_n3A_610, %select_n3A_608 : vector<1024x128xi1>, vector<1024x128xf32>
    %broadcast_in_dim3A_627 = vector.broadcast %bitcast_convert_type3A_20 : f32 to vector<1024x128xf32>
    %select_n3A_628 = arith.select %eq3A_623, %broadcast_in_dim3A_627, %select_n3A_610 : vector<1024x128xi1>, vector<1024x128xf32>
    %reduce_min3A_629 = arith.constant dense<0x7F800000> : vector<1024xf32>
    %reduce_min3A_630 = vector.multi_reduction <minimumf>, %select_n3A_624, %reduce_min3A_629 [1] : vector<1024x128xf32> to vector<1024xf32>
    %broadcast_in_dim3A_631 = vector.shape_cast %reduce_min3A_630 : vector<1024xf32> to vector<1024x1xf32>
    %eq3A_632 = vector.broadcast %broadcast_in_dim3A_631 : vector<1024x1xf32> to vector<1024x128xf32>
    %eq3A_633 = arith.cmpf oeq, %select_n3A_624, %eq3A_632 : vector<1024x128xf32>
    %jit3A_634 = arith.constant 1.280000e+02 : f32
    %broadcast_in_dim3A_635 = vector.broadcast %jit3A_634 : f32 to vector<1024x128xf32>
    %select_n3A_636 = arith.select %eq3A_633, %convert_element_type3A, %broadcast_in_dim3A_635 : vector<1024x128xi1>, vector<1024x128xf32>
    %reduce_min3A_637 = arith.constant dense<0x7F800000> : vector<1024xf32>
    %reduce_min3A_638 = vector.multi_reduction <minimumf>, %select_n3A_636, %reduce_min3A_637 [1] : vector<1024x128xf32> to vector<1024xf32>
    %broadcast_in_dim3A_639 = vector.shape_cast %reduce_min3A_638 : vector<1024xf32> to vector<1024x1xf32>
    %eq3A_640 = vector.broadcast %broadcast_in_dim3A_639 : vector<1024x1xf32> to vector<1024x128xf32>
    %eq3A_641 = arith.cmpf oeq, %convert_element_type3A, %eq3A_640 : vector<1024x128xf32>
    %select_n3A_642 = arith.select %eq3A_641, %select_n3A_625, %select_n3A_624 : vector<1024x128xi1>, vector<1024x128xf32>
    %select_n3A_643 = arith.select %eq3A_641, %select_n3A_626, %select_n3A_625 : vector<1024x128xi1>, vector<1024x128xf32>
    %select_n3A_644 = arith.select %eq3A_641, %select_n3A_628, %select_n3A_626 : vector<1024x128xi1>, vector<1024x128xf32>
    %broadcast_in_dim3A_645 = vector.broadcast %bitcast_convert_type3A_20 : f32 to vector<1024x128xf32>
    %select_n3A_646 = arith.select %eq3A_641, %broadcast_in_dim3A_645, %select_n3A_628 : vector<1024x128xi1>, vector<1024x128xf32>
    %reduce_min3A_647 = arith.constant dense<0x7F800000> : vector<1024xf32>
    %reduce_min3A_648 = vector.multi_reduction <minimumf>, %select_n3A_642, %reduce_min3A_647 [1] : vector<1024x128xf32> to vector<1024xf32>
    %broadcast_in_dim3A_649 = vector.shape_cast %reduce_min3A_648 : vector<1024xf32> to vector<1024x1xf32>
    %eq3A_650 = vector.broadcast %broadcast_in_dim3A_649 : vector<1024x1xf32> to vector<1024x128xf32>
    %eq3A_651 = arith.cmpf oeq, %select_n3A_642, %eq3A_650 : vector<1024x128xf32>
    %jit3A_652 = arith.constant 1.280000e+02 : f32
    %broadcast_in_dim3A_653 = vector.broadcast %jit3A_652 : f32 to vector<1024x128xf32>
    %select_n3A_654 = arith.select %eq3A_651, %convert_element_type3A, %broadcast_in_dim3A_653 : vector<1024x128xi1>, vector<1024x128xf32>
    %reduce_min3A_655 = arith.constant dense<0x7F800000> : vector<1024xf32>
    %reduce_min3A_656 = vector.multi_reduction <minimumf>, %select_n3A_654, %reduce_min3A_655 [1] : vector<1024x128xf32> to vector<1024xf32>
    %broadcast_in_dim3A_657 = vector.shape_cast %reduce_min3A_656 : vector<1024xf32> to vector<1024x1xf32>
    %eq3A_658 = vector.broadcast %broadcast_in_dim3A_657 : vector<1024x1xf32> to vector<1024x128xf32>
    %eq3A_659 = arith.cmpf oeq, %convert_element_type3A, %eq3A_658 : vector<1024x128xf32>
    %select_n3A_660 = arith.select %eq3A_659, %select_n3A_643, %select_n3A_642 : vector<1024x128xi1>, vector<1024x128xf32>
    %select_n3A_661 = arith.select %eq3A_659, %select_n3A_644, %select_n3A_643 : vector<1024x128xi1>, vector<1024x128xf32>
    %select_n3A_662 = arith.select %eq3A_659, %select_n3A_646, %select_n3A_644 : vector<1024x128xi1>, vector<1024x128xf32>
    %broadcast_in_dim3A_663 = vector.broadcast %bitcast_convert_type3A_20 : f32 to vector<1024x128xf32>
    %select_n3A_664 = arith.select %eq3A_659, %broadcast_in_dim3A_663, %select_n3A_646 : vector<1024x128xi1>, vector<1024x128xf32>
    %reduce_min3A_665 = arith.constant dense<0x7F800000> : vector<1024xf32>
    %reduce_min3A_666 = vector.multi_reduction <minimumf>, %select_n3A_660, %reduce_min3A_665 [1] : vector<1024x128xf32> to vector<1024xf32>
    %broadcast_in_dim3A_667 = vector.shape_cast %reduce_min3A_666 : vector<1024xf32> to vector<1024x1xf32>
    %eq3A_668 = vector.broadcast %broadcast_in_dim3A_667 : vector<1024x1xf32> to vector<1024x128xf32>
    %eq3A_669 = arith.cmpf oeq, %select_n3A_660, %eq3A_668 : vector<1024x128xf32>
    %jit3A_670 = arith.constant 1.280000e+02 : f32
    %broadcast_in_dim3A_671 = vector.broadcast %jit3A_670 : f32 to vector<1024x128xf32>
    %select_n3A_672 = arith.select %eq3A_669, %convert_element_type3A, %broadcast_in_dim3A_671 : vector<1024x128xi1>, vector<1024x128xf32>
    %reduce_min3A_673 = arith.constant dense<0x7F800000> : vector<1024xf32>
    %reduce_min3A_674 = vector.multi_reduction <minimumf>, %select_n3A_672, %reduce_min3A_673 [1] : vector<1024x128xf32> to vector<1024xf32>
    %broadcast_in_dim3A_675 = vector.shape_cast %reduce_min3A_674 : vector<1024xf32> to vector<1024x1xf32>
    %eq3A_676 = vector.broadcast %broadcast_in_dim3A_675 : vector<1024x1xf32> to vector<1024x128xf32>
    %eq3A_677 = arith.cmpf oeq, %convert_element_type3A, %eq3A_676 : vector<1024x128xf32>
    %select_n3A_678 = arith.select %eq3A_677, %select_n3A_661, %select_n3A_660 : vector<1024x128xi1>, vector<1024x128xf32>
    %select_n3A_679 = arith.select %eq3A_677, %select_n3A_662, %select_n3A_661 : vector<1024x128xi1>, vector<1024x128xf32>
    %select_n3A_680 = arith.select %eq3A_677, %select_n3A_664, %select_n3A_662 : vector<1024x128xi1>, vector<1024x128xf32>
    %broadcast_in_dim3A_681 = vector.broadcast %bitcast_convert_type3A_20 : f32 to vector<1024x128xf32>
    %select_n3A_682 = arith.select %eq3A_677, %broadcast_in_dim3A_681, %select_n3A_664 : vector<1024x128xi1>, vector<1024x128xf32>
    %reduce_min3A_683 = arith.constant dense<0x7F800000> : vector<1024xf32>
    %reduce_min3A_684 = vector.multi_reduction <minimumf>, %select_n3A_678, %reduce_min3A_683 [1] : vector<1024x128xf32> to vector<1024xf32>
    %broadcast_in_dim3A_685 = vector.shape_cast %reduce_min3A_684 : vector<1024xf32> to vector<1024x1xf32>
    %eq3A_686 = vector.broadcast %broadcast_in_dim3A_685 : vector<1024x1xf32> to vector<1024x128xf32>
    %eq3A_687 = arith.cmpf oeq, %select_n3A_678, %eq3A_686 : vector<1024x128xf32>
    %jit3A_688 = arith.constant 1.280000e+02 : f32
    %broadcast_in_dim3A_689 = vector.broadcast %jit3A_688 : f32 to vector<1024x128xf32>
    %select_n3A_690 = arith.select %eq3A_687, %convert_element_type3A, %broadcast_in_dim3A_689 : vector<1024x128xi1>, vector<1024x128xf32>
    %reduce_min3A_691 = arith.constant dense<0x7F800000> : vector<1024xf32>
    %reduce_min3A_692 = vector.multi_reduction <minimumf>, %select_n3A_690, %reduce_min3A_691 [1] : vector<1024x128xf32> to vector<1024xf32>
    %broadcast_in_dim3A_693 = vector.shape_cast %reduce_min3A_692 : vector<1024xf32> to vector<1024x1xf32>
    %eq3A_694 = vector.broadcast %broadcast_in_dim3A_693 : vector<1024x1xf32> to vector<1024x128xf32>
    %eq3A_695 = arith.cmpf oeq, %convert_element_type3A, %eq3A_694 : vector<1024x128xf32>
    %select_n3A_696 = arith.select %eq3A_695, %select_n3A_679, %select_n3A_678 : vector<1024x128xi1>, vector<1024x128xf32>
    %select_n3A_697 = arith.select %eq3A_695, %select_n3A_680, %select_n3A_679 : vector<1024x128xi1>, vector<1024x128xf32>
    %select_n3A_698 = arith.select %eq3A_695, %select_n3A_682, %select_n3A_680 : vector<1024x128xi1>, vector<1024x128xf32>
    %broadcast_in_dim3A_699 = vector.broadcast %bitcast_convert_type3A_20 : f32 to vector<1024x128xf32>
    %select_n3A_700 = arith.select %eq3A_695, %broadcast_in_dim3A_699, %select_n3A_682 : vector<1024x128xi1>, vector<1024x128xf32>
    %reduce_min3A_701 = arith.constant dense<0x7F800000> : vector<1024xf32>
    %reduce_min3A_702 = vector.multi_reduction <minimumf>, %select_n3A_696, %reduce_min3A_701 [1] : vector<1024x128xf32> to vector<1024xf32>
    %broadcast_in_dim3A_703 = vector.shape_cast %reduce_min3A_702 : vector<1024xf32> to vector<1024x1xf32>
    %eq3A_704 = vector.broadcast %broadcast_in_dim3A_703 : vector<1024x1xf32> to vector<1024x128xf32>
    %eq3A_705 = arith.cmpf oeq, %select_n3A_696, %eq3A_704 : vector<1024x128xf32>
    %jit3A_706 = arith.constant 1.280000e+02 : f32
    %broadcast_in_dim3A_707 = vector.broadcast %jit3A_706 : f32 to vector<1024x128xf32>
    %select_n3A_708 = arith.select %eq3A_705, %convert_element_type3A, %broadcast_in_dim3A_707 : vector<1024x128xi1>, vector<1024x128xf32>
    %reduce_min3A_709 = arith.constant dense<0x7F800000> : vector<1024xf32>
    %reduce_min3A_710 = vector.multi_reduction <minimumf>, %select_n3A_708, %reduce_min3A_709 [1] : vector<1024x128xf32> to vector<1024xf32>
    %broadcast_in_dim3A_711 = vector.shape_cast %reduce_min3A_710 : vector<1024xf32> to vector<1024x1xf32>
    %eq3A_712 = vector.broadcast %broadcast_in_dim3A_711 : vector<1024x1xf32> to vector<1024x128xf32>
    %eq3A_713 = arith.cmpf oeq, %convert_element_type3A, %eq3A_712 : vector<1024x128xf32>
    %select_n3A_714 = arith.select %eq3A_713, %select_n3A_697, %select_n3A_696 : vector<1024x128xi1>, vector<1024x128xf32>
    %select_n3A_715 = arith.select %eq3A_713, %select_n3A_698, %select_n3A_697 : vector<1024x128xi1>, vector<1024x128xf32>
    %select_n3A_716 = arith.select %eq3A_713, %select_n3A_700, %select_n3A_698 : vector<1024x128xi1>, vector<1024x128xf32>
    %broadcast_in_dim3A_717 = vector.broadcast %bitcast_convert_type3A_20 : f32 to vector<1024x128xf32>
    %select_n3A_718 = arith.select %eq3A_713, %broadcast_in_dim3A_717, %select_n3A_700 : vector<1024x128xi1>, vector<1024x128xf32>
    %reduce_min3A_719 = arith.constant dense<0x7F800000> : vector<1024xf32>
    %reduce_min3A_720 = vector.multi_reduction <minimumf>, %select_n3A_714, %reduce_min3A_719 [1] : vector<1024x128xf32> to vector<1024xf32>
    %broadcast_in_dim3A_721 = vector.shape_cast %reduce_min3A_720 : vector<1024xf32> to vector<1024x1xf32>
    %eq3A_722 = vector.broadcast %broadcast_in_dim3A_721 : vector<1024x1xf32> to vector<1024x128xf32>
    %eq3A_723 = arith.cmpf oeq, %select_n3A_714, %eq3A_722 : vector<1024x128xf32>
    %jit3A_724 = arith.constant 1.280000e+02 : f32
    %broadcast_in_dim3A_725 = vector.broadcast %jit3A_724 : f32 to vector<1024x128xf32>
    %select_n3A_726 = arith.select %eq3A_723, %convert_element_type3A, %broadcast_in_dim3A_725 : vector<1024x128xi1>, vector<1024x128xf32>
    %reduce_min3A_727 = arith.constant dense<0x7F800000> : vector<1024xf32>
    %reduce_min3A_728 = vector.multi_reduction <minimumf>, %select_n3A_726, %reduce_min3A_727 [1] : vector<1024x128xf32> to vector<1024xf32>
    %broadcast_in_dim3A_729 = vector.shape_cast %reduce_min3A_728 : vector<1024xf32> to vector<1024x1xf32>
    %eq3A_730 = vector.broadcast %broadcast_in_dim3A_729 : vector<1024x1xf32> to vector<1024x128xf32>
    %eq3A_731 = arith.cmpf oeq, %convert_element_type3A, %eq3A_730 : vector<1024x128xf32>
    %select_n3A_732 = arith.select %eq3A_731, %select_n3A_715, %select_n3A_714 : vector<1024x128xi1>, vector<1024x128xf32>
    %select_n3A_733 = arith.select %eq3A_731, %select_n3A_716, %select_n3A_715 : vector<1024x128xi1>, vector<1024x128xf32>
    %select_n3A_734 = arith.select %eq3A_731, %select_n3A_718, %select_n3A_716 : vector<1024x128xi1>, vector<1024x128xf32>
    %broadcast_in_dim3A_735 = vector.broadcast %bitcast_convert_type3A_20 : f32 to vector<1024x128xf32>
    %select_n3A_736 = arith.select %eq3A_731, %broadcast_in_dim3A_735, %select_n3A_718 : vector<1024x128xi1>, vector<1024x128xf32>
    %reduce_min3A_737 = arith.constant dense<0x7F800000> : vector<1024xf32>
    %reduce_min3A_738 = vector.multi_reduction <minimumf>, %select_n3A_732, %reduce_min3A_737 [1] : vector<1024x128xf32> to vector<1024xf32>
    %broadcast_in_dim3A_739 = vector.shape_cast %reduce_min3A_738 : vector<1024xf32> to vector<1024x1xf32>
    %eq3A_740 = vector.broadcast %broadcast_in_dim3A_739 : vector<1024x1xf32> to vector<1024x128xf32>
    %eq3A_741 = arith.cmpf oeq, %select_n3A_732, %eq3A_740 : vector<1024x128xf32>
    %jit3A_742 = arith.constant 1.280000e+02 : f32
    %broadcast_in_dim3A_743 = vector.broadcast %jit3A_742 : f32 to vector<1024x128xf32>
    %select_n3A_744 = arith.select %eq3A_741, %convert_element_type3A, %broadcast_in_dim3A_743 : vector<1024x128xi1>, vector<1024x128xf32>
    %reduce_min3A_745 = arith.constant dense<0x7F800000> : vector<1024xf32>
    %reduce_min3A_746 = vector.multi_reduction <minimumf>, %select_n3A_744, %reduce_min3A_745 [1] : vector<1024x128xf32> to vector<1024xf32>
    %broadcast_in_dim3A_747 = vector.shape_cast %reduce_min3A_746 : vector<1024xf32> to vector<1024x1xf32>
    %eq3A_748 = vector.broadcast %broadcast_in_dim3A_747 : vector<1024x1xf32> to vector<1024x128xf32>
    %eq3A_749 = arith.cmpf oeq, %convert_element_type3A, %eq3A_748 : vector<1024x128xf32>
    %select_n3A_750 = arith.select %eq3A_749, %select_n3A_733, %select_n3A_732 : vector<1024x128xi1>, vector<1024x128xf32>
    %select_n3A_751 = arith.select %eq3A_749, %select_n3A_734, %select_n3A_733 : vector<1024x128xi1>, vector<1024x128xf32>
    %select_n3A_752 = arith.select %eq3A_749, %select_n3A_736, %select_n3A_734 : vector<1024x128xi1>, vector<1024x128xf32>
    %broadcast_in_dim3A_753 = vector.broadcast %bitcast_convert_type3A_20 : f32 to vector<1024x128xf32>
    %select_n3A_754 = arith.select %eq3A_749, %broadcast_in_dim3A_753, %select_n3A_736 : vector<1024x128xi1>, vector<1024x128xf32>
    %reduce_min3A_755 = arith.constant dense<0x7F800000> : vector<1024xf32>
    %reduce_min3A_756 = vector.multi_reduction <minimumf>, %select_n3A_750, %reduce_min3A_755 [1] : vector<1024x128xf32> to vector<1024xf32>
    %broadcast_in_dim3A_757 = vector.shape_cast %reduce_min3A_756 : vector<1024xf32> to vector<1024x1xf32>
    %eq3A_758 = vector.broadcast %broadcast_in_dim3A_757 : vector<1024x1xf32> to vector<1024x128xf32>
    %eq3A_759 = arith.cmpf oeq, %select_n3A_750, %eq3A_758 : vector<1024x128xf32>
    %jit3A_760 = arith.constant 1.280000e+02 : f32
    %broadcast_in_dim3A_761 = vector.broadcast %jit3A_760 : f32 to vector<1024x128xf32>
    %select_n3A_762 = arith.select %eq3A_759, %convert_element_type3A, %broadcast_in_dim3A_761 : vector<1024x128xi1>, vector<1024x128xf32>
    %reduce_min3A_763 = arith.constant dense<0x7F800000> : vector<1024xf32>
    %reduce_min3A_764 = vector.multi_reduction <minimumf>, %select_n3A_762, %reduce_min3A_763 [1] : vector<1024x128xf32> to vector<1024xf32>
    %broadcast_in_dim3A_765 = vector.shape_cast %reduce_min3A_764 : vector<1024xf32> to vector<1024x1xf32>
    %eq3A_766 = vector.broadcast %broadcast_in_dim3A_765 : vector<1024x1xf32> to vector<1024x128xf32>
    %eq3A_767 = arith.cmpf oeq, %convert_element_type3A, %eq3A_766 : vector<1024x128xf32>
    %select_n3A_768 = arith.select %eq3A_767, %select_n3A_751, %select_n3A_750 : vector<1024x128xi1>, vector<1024x128xf32>
    %select_n3A_769 = arith.select %eq3A_767, %select_n3A_752, %select_n3A_751 : vector<1024x128xi1>, vector<1024x128xf32>
    %select_n3A_770 = arith.select %eq3A_767, %select_n3A_754, %select_n3A_752 : vector<1024x128xi1>, vector<1024x128xf32>
    %broadcast_in_dim3A_771 = vector.broadcast %bitcast_convert_type3A_20 : f32 to vector<1024x128xf32>
    %select_n3A_772 = arith.select %eq3A_767, %broadcast_in_dim3A_771, %select_n3A_754 : vector<1024x128xi1>, vector<1024x128xf32>
    %reduce_min3A_773 = arith.constant dense<0x7F800000> : vector<1024xf32>
    %reduce_min3A_774 = vector.multi_reduction <minimumf>, %select_n3A_768, %reduce_min3A_773 [1] : vector<1024x128xf32> to vector<1024xf32>
    %broadcast_in_dim3A_775 = vector.shape_cast %reduce_min3A_774 : vector<1024xf32> to vector<1024x1xf32>
    %eq3A_776 = vector.broadcast %broadcast_in_dim3A_775 : vector<1024x1xf32> to vector<1024x128xf32>
    %eq3A_777 = arith.cmpf oeq, %select_n3A_768, %eq3A_776 : vector<1024x128xf32>
    %jit3A_778 = arith.constant 1.280000e+02 : f32
    %broadcast_in_dim3A_779 = vector.broadcast %jit3A_778 : f32 to vector<1024x128xf32>
    %select_n3A_780 = arith.select %eq3A_777, %convert_element_type3A, %broadcast_in_dim3A_779 : vector<1024x128xi1>, vector<1024x128xf32>
    %reduce_min3A_781 = arith.constant dense<0x7F800000> : vector<1024xf32>
    %reduce_min3A_782 = vector.multi_reduction <minimumf>, %select_n3A_780, %reduce_min3A_781 [1] : vector<1024x128xf32> to vector<1024xf32>
    %broadcast_in_dim3A_783 = vector.shape_cast %reduce_min3A_782 : vector<1024xf32> to vector<1024x1xf32>
    %eq3A_784 = vector.broadcast %broadcast_in_dim3A_783 : vector<1024x1xf32> to vector<1024x128xf32>
    %eq3A_785 = arith.cmpf oeq, %convert_element_type3A, %eq3A_784 : vector<1024x128xf32>
    %select_n3A_786 = arith.select %eq3A_785, %select_n3A_769, %select_n3A_768 : vector<1024x128xi1>, vector<1024x128xf32>
    %select_n3A_787 = arith.select %eq3A_785, %select_n3A_770, %select_n3A_769 : vector<1024x128xi1>, vector<1024x128xf32>
    %select_n3A_788 = arith.select %eq3A_785, %select_n3A_772, %select_n3A_770 : vector<1024x128xi1>, vector<1024x128xf32>
    %broadcast_in_dim3A_789 = vector.broadcast %bitcast_convert_type3A_20 : f32 to vector<1024x128xf32>
    %select_n3A_790 = arith.select %eq3A_785, %broadcast_in_dim3A_789, %select_n3A_772 : vector<1024x128xi1>, vector<1024x128xf32>
    %reduce_min3A_791 = arith.constant dense<0x7F800000> : vector<1024xf32>
    %reduce_min3A_792 = vector.multi_reduction <minimumf>, %select_n3A_786, %reduce_min3A_791 [1] : vector<1024x128xf32> to vector<1024xf32>
    %broadcast_in_dim3A_793 = vector.shape_cast %reduce_min3A_792 : vector<1024xf32> to vector<1024x1xf32>
    %eq3A_794 = vector.broadcast %broadcast_in_dim3A_793 : vector<1024x1xf32> to vector<1024x128xf32>
    %eq3A_795 = arith.cmpf oeq, %select_n3A_786, %eq3A_794 : vector<1024x128xf32>
    %jit3A_796 = arith.constant 1.280000e+02 : f32
    %broadcast_in_dim3A_797 = vector.broadcast %jit3A_796 : f32 to vector<1024x128xf32>
    %select_n3A_798 = arith.select %eq3A_795, %convert_element_type3A, %broadcast_in_dim3A_797 : vector<1024x128xi1>, vector<1024x128xf32>
    %reduce_min3A_799 = arith.constant dense<0x7F800000> : vector<1024xf32>
    %reduce_min3A_800 = vector.multi_reduction <minimumf>, %select_n3A_798, %reduce_min3A_799 [1] : vector<1024x128xf32> to vector<1024xf32>
    %broadcast_in_dim3A_801 = vector.shape_cast %reduce_min3A_800 : vector<1024xf32> to vector<1024x1xf32>
    %eq3A_802 = vector.broadcast %broadcast_in_dim3A_801 : vector<1024x1xf32> to vector<1024x128xf32>
    %eq3A_803 = arith.cmpf oeq, %convert_element_type3A, %eq3A_802 : vector<1024x128xf32>
    %select_n3A_804 = arith.select %eq3A_803, %select_n3A_787, %select_n3A_786 : vector<1024x128xi1>, vector<1024x128xf32>
    %select_n3A_805 = arith.select %eq3A_803, %select_n3A_788, %select_n3A_787 : vector<1024x128xi1>, vector<1024x128xf32>
    %select_n3A_806 = arith.select %eq3A_803, %select_n3A_790, %select_n3A_788 : vector<1024x128xi1>, vector<1024x128xf32>
    %broadcast_in_dim3A_807 = vector.broadcast %bitcast_convert_type3A_20 : f32 to vector<1024x128xf32>
    %select_n3A_808 = arith.select %eq3A_803, %broadcast_in_dim3A_807, %select_n3A_790 : vector<1024x128xi1>, vector<1024x128xf32>
    %reduce_min3A_809 = arith.constant dense<0x7F800000> : vector<1024xf32>
    %reduce_min3A_810 = vector.multi_reduction <minimumf>, %select_n3A_804, %reduce_min3A_809 [1] : vector<1024x128xf32> to vector<1024xf32>
    %broadcast_in_dim3A_811 = vector.shape_cast %reduce_min3A_810 : vector<1024xf32> to vector<1024x1xf32>
    %eq3A_812 = vector.broadcast %broadcast_in_dim3A_811 : vector<1024x1xf32> to vector<1024x128xf32>
    %eq3A_813 = arith.cmpf oeq, %select_n3A_804, %eq3A_812 : vector<1024x128xf32>
    %jit3A_814 = arith.constant 1.280000e+02 : f32
    %broadcast_in_dim3A_815 = vector.broadcast %jit3A_814 : f32 to vector<1024x128xf32>
    %select_n3A_816 = arith.select %eq3A_813, %convert_element_type3A, %broadcast_in_dim3A_815 : vector<1024x128xi1>, vector<1024x128xf32>
    %reduce_min3A_817 = arith.constant dense<0x7F800000> : vector<1024xf32>
    %reduce_min3A_818 = vector.multi_reduction <minimumf>, %select_n3A_816, %reduce_min3A_817 [1] : vector<1024x128xf32> to vector<1024xf32>
    %broadcast_in_dim3A_819 = vector.shape_cast %reduce_min3A_818 : vector<1024xf32> to vector<1024x1xf32>
    %eq3A_820 = vector.broadcast %broadcast_in_dim3A_819 : vector<1024x1xf32> to vector<1024x128xf32>
    %eq3A_821 = arith.cmpf oeq, %convert_element_type3A, %eq3A_820 : vector<1024x128xf32>
    %select_n3A_822 = arith.select %eq3A_821, %select_n3A_805, %select_n3A_804 : vector<1024x128xi1>, vector<1024x128xf32>
    %select_n3A_823 = arith.select %eq3A_821, %select_n3A_806, %select_n3A_805 : vector<1024x128xi1>, vector<1024x128xf32>
    %select_n3A_824 = arith.select %eq3A_821, %select_n3A_808, %select_n3A_806 : vector<1024x128xi1>, vector<1024x128xf32>
    %broadcast_in_dim3A_825 = vector.broadcast %bitcast_convert_type3A_20 : f32 to vector<1024x128xf32>
    %select_n3A_826 = arith.select %eq3A_821, %broadcast_in_dim3A_825, %select_n3A_808 : vector<1024x128xi1>, vector<1024x128xf32>
    %reduce_min3A_827 = arith.constant dense<0x7F800000> : vector<1024xf32>
    %reduce_min3A_828 = vector.multi_reduction <minimumf>, %select_n3A_822, %reduce_min3A_827 [1] : vector<1024x128xf32> to vector<1024xf32>
    %broadcast_in_dim3A_829 = vector.shape_cast %reduce_min3A_828 : vector<1024xf32> to vector<1024x1xf32>
    %eq3A_830 = vector.broadcast %broadcast_in_dim3A_829 : vector<1024x1xf32> to vector<1024x128xf32>
    %eq3A_831 = arith.cmpf oeq, %select_n3A_822, %eq3A_830 : vector<1024x128xf32>
    %jit3A_832 = arith.constant 1.280000e+02 : f32
    %broadcast_in_dim3A_833 = vector.broadcast %jit3A_832 : f32 to vector<1024x128xf32>
    %select_n3A_834 = arith.select %eq3A_831, %convert_element_type3A, %broadcast_in_dim3A_833 : vector<1024x128xi1>, vector<1024x128xf32>
    %reduce_min3A_835 = arith.constant dense<0x7F800000> : vector<1024xf32>
    %reduce_min3A_836 = vector.multi_reduction <minimumf>, %select_n3A_834, %reduce_min3A_835 [1] : vector<1024x128xf32> to vector<1024xf32>
    %broadcast_in_dim3A_837 = vector.shape_cast %reduce_min3A_836 : vector<1024xf32> to vector<1024x1xf32>
    %eq3A_838 = vector.broadcast %broadcast_in_dim3A_837 : vector<1024x1xf32> to vector<1024x128xf32>
    %eq3A_839 = arith.cmpf oeq, %convert_element_type3A, %eq3A_838 : vector<1024x128xf32>
    %select_n3A_840 = arith.select %eq3A_839, %select_n3A_823, %select_n3A_822 : vector<1024x128xi1>, vector<1024x128xf32>
    %select_n3A_841 = arith.select %eq3A_839, %select_n3A_824, %select_n3A_823 : vector<1024x128xi1>, vector<1024x128xf32>
    %select_n3A_842 = arith.select %eq3A_839, %select_n3A_826, %select_n3A_824 : vector<1024x128xi1>, vector<1024x128xf32>
    %broadcast_in_dim3A_843 = vector.broadcast %bitcast_convert_type3A_20 : f32 to vector<1024x128xf32>
    %select_n3A_844 = arith.select %eq3A_839, %broadcast_in_dim3A_843, %select_n3A_826 : vector<1024x128xi1>, vector<1024x128xf32>
    %reduce_min3A_845 = arith.constant dense<0x7F800000> : vector<1024xf32>
    %reduce_min3A_846 = vector.multi_reduction <minimumf>, %select_n3A_840, %reduce_min3A_845 [1] : vector<1024x128xf32> to vector<1024xf32>
    %broadcast_in_dim3A_847 = vector.shape_cast %reduce_min3A_846 : vector<1024xf32> to vector<1024x1xf32>
    %eq3A_848 = vector.broadcast %broadcast_in_dim3A_847 : vector<1024x1xf32> to vector<1024x128xf32>
    %eq3A_849 = arith.cmpf oeq, %select_n3A_840, %eq3A_848 : vector<1024x128xf32>
    %jit3A_850 = arith.constant 1.280000e+02 : f32
    %broadcast_in_dim3A_851 = vector.broadcast %jit3A_850 : f32 to vector<1024x128xf32>
    %select_n3A_852 = arith.select %eq3A_849, %convert_element_type3A, %broadcast_in_dim3A_851 : vector<1024x128xi1>, vector<1024x128xf32>
    %reduce_min3A_853 = arith.constant dense<0x7F800000> : vector<1024xf32>
    %reduce_min3A_854 = vector.multi_reduction <minimumf>, %select_n3A_852, %reduce_min3A_853 [1] : vector<1024x128xf32> to vector<1024xf32>
    %broadcast_in_dim3A_855 = vector.shape_cast %reduce_min3A_854 : vector<1024xf32> to vector<1024x1xf32>
    %eq3A_856 = vector.broadcast %broadcast_in_dim3A_855 : vector<1024x1xf32> to vector<1024x128xf32>
    %eq3A_857 = arith.cmpf oeq, %convert_element_type3A, %eq3A_856 : vector<1024x128xf32>
    %select_n3A_858 = arith.select %eq3A_857, %select_n3A_841, %select_n3A_840 : vector<1024x128xi1>, vector<1024x128xf32>
    %select_n3A_859 = arith.select %eq3A_857, %select_n3A_842, %select_n3A_841 : vector<1024x128xi1>, vector<1024x128xf32>
    %select_n3A_860 = arith.select %eq3A_857, %select_n3A_844, %select_n3A_842 : vector<1024x128xi1>, vector<1024x128xf32>
    %broadcast_in_dim3A_861 = vector.broadcast %bitcast_convert_type3A_20 : f32 to vector<1024x128xf32>
    %select_n3A_862 = arith.select %eq3A_857, %broadcast_in_dim3A_861, %select_n3A_844 : vector<1024x128xi1>, vector<1024x128xf32>
    %reduce_min3A_863 = arith.constant dense<0x7F800000> : vector<1024xf32>
    %reduce_min3A_864 = vector.multi_reduction <minimumf>, %select_n3A_858, %reduce_min3A_863 [1] : vector<1024x128xf32> to vector<1024xf32>
    %broadcast_in_dim3A_865 = vector.shape_cast %reduce_min3A_864 : vector<1024xf32> to vector<1024x1xf32>
    %eq3A_866 = vector.broadcast %broadcast_in_dim3A_865 : vector<1024x1xf32> to vector<1024x128xf32>
    %eq3A_867 = arith.cmpf oeq, %select_n3A_858, %eq3A_866 : vector<1024x128xf32>
    %jit3A_868 = arith.constant 1.280000e+02 : f32
    %broadcast_in_dim3A_869 = vector.broadcast %jit3A_868 : f32 to vector<1024x128xf32>
    %select_n3A_870 = arith.select %eq3A_867, %convert_element_type3A, %broadcast_in_dim3A_869 : vector<1024x128xi1>, vector<1024x128xf32>
    %reduce_min3A_871 = arith.constant dense<0x7F800000> : vector<1024xf32>
    %reduce_min3A_872 = vector.multi_reduction <minimumf>, %select_n3A_870, %reduce_min3A_871 [1] : vector<1024x128xf32> to vector<1024xf32>
    %broadcast_in_dim3A_873 = vector.shape_cast %reduce_min3A_872 : vector<1024xf32> to vector<1024x1xf32>
    %eq3A_874 = vector.broadcast %broadcast_in_dim3A_873 : vector<1024x1xf32> to vector<1024x128xf32>
    %eq3A_875 = arith.cmpf oeq, %convert_element_type3A, %eq3A_874 : vector<1024x128xf32>
    %select_n3A_876 = arith.select %eq3A_875, %select_n3A_859, %select_n3A_858 : vector<1024x128xi1>, vector<1024x128xf32>
    %select_n3A_877 = arith.select %eq3A_875, %select_n3A_860, %select_n3A_859 : vector<1024x128xi1>, vector<1024x128xf32>
    %select_n3A_878 = arith.select %eq3A_875, %select_n3A_862, %select_n3A_860 : vector<1024x128xi1>, vector<1024x128xf32>
    %broadcast_in_dim3A_879 = vector.broadcast %bitcast_convert_type3A_20 : f32 to vector<1024x128xf32>
    %select_n3A_880 = arith.select %eq3A_875, %broadcast_in_dim3A_879, %select_n3A_862 : vector<1024x128xi1>, vector<1024x128xf32>
    %reduce_min3A_881 = arith.constant dense<0x7F800000> : vector<1024xf32>
    %reduce_min3A_882 = vector.multi_reduction <minimumf>, %select_n3A_876, %reduce_min3A_881 [1] : vector<1024x128xf32> to vector<1024xf32>
    %broadcast_in_dim3A_883 = vector.shape_cast %reduce_min3A_882 : vector<1024xf32> to vector<1024x1xf32>
    %eq3A_884 = vector.broadcast %broadcast_in_dim3A_883 : vector<1024x1xf32> to vector<1024x128xf32>
    %eq3A_885 = arith.cmpf oeq, %select_n3A_876, %eq3A_884 : vector<1024x128xf32>
    %jit3A_886 = arith.constant 1.280000e+02 : f32
    %broadcast_in_dim3A_887 = vector.broadcast %jit3A_886 : f32 to vector<1024x128xf32>
    %select_n3A_888 = arith.select %eq3A_885, %convert_element_type3A, %broadcast_in_dim3A_887 : vector<1024x128xi1>, vector<1024x128xf32>
    %reduce_min3A_889 = arith.constant dense<0x7F800000> : vector<1024xf32>
    %reduce_min3A_890 = vector.multi_reduction <minimumf>, %select_n3A_888, %reduce_min3A_889 [1] : vector<1024x128xf32> to vector<1024xf32>
    %broadcast_in_dim3A_891 = vector.shape_cast %reduce_min3A_890 : vector<1024xf32> to vector<1024x1xf32>
    %eq3A_892 = vector.broadcast %broadcast_in_dim3A_891 : vector<1024x1xf32> to vector<1024x128xf32>
    %eq3A_893 = arith.cmpf oeq, %convert_element_type3A, %eq3A_892 : vector<1024x128xf32>
    %select_n3A_894 = arith.select %eq3A_893, %select_n3A_877, %select_n3A_876 : vector<1024x128xi1>, vector<1024x128xf32>
    %select_n3A_895 = arith.select %eq3A_893, %select_n3A_878, %select_n3A_877 : vector<1024x128xi1>, vector<1024x128xf32>
    %select_n3A_896 = arith.select %eq3A_893, %select_n3A_880, %select_n3A_878 : vector<1024x128xi1>, vector<1024x128xf32>
    %broadcast_in_dim3A_897 = vector.broadcast %bitcast_convert_type3A_20 : f32 to vector<1024x128xf32>
    %select_n3A_898 = arith.select %eq3A_893, %broadcast_in_dim3A_897, %select_n3A_880 : vector<1024x128xi1>, vector<1024x128xf32>
    %reduce_min3A_899 = arith.constant dense<0x7F800000> : vector<1024xf32>
    %reduce_min3A_900 = vector.multi_reduction <minimumf>, %select_n3A_894, %reduce_min3A_899 [1] : vector<1024x128xf32> to vector<1024xf32>
    %broadcast_in_dim3A_901 = vector.shape_cast %reduce_min3A_900 : vector<1024xf32> to vector<1024x1xf32>
    %eq3A_902 = vector.broadcast %broadcast_in_dim3A_901 : vector<1024x1xf32> to vector<1024x128xf32>
    %eq3A_903 = arith.cmpf oeq, %select_n3A_894, %eq3A_902 : vector<1024x128xf32>
    %jit3A_904 = arith.constant 1.280000e+02 : f32
    %broadcast_in_dim3A_905 = vector.broadcast %jit3A_904 : f32 to vector<1024x128xf32>
    %select_n3A_906 = arith.select %eq3A_903, %convert_element_type3A, %broadcast_in_dim3A_905 : vector<1024x128xi1>, vector<1024x128xf32>
    %reduce_min3A_907 = arith.constant dense<0x7F800000> : vector<1024xf32>
    %reduce_min3A_908 = vector.multi_reduction <minimumf>, %select_n3A_906, %reduce_min3A_907 [1] : vector<1024x128xf32> to vector<1024xf32>
    %broadcast_in_dim3A_909 = vector.shape_cast %reduce_min3A_908 : vector<1024xf32> to vector<1024x1xf32>
    %eq3A_910 = vector.broadcast %broadcast_in_dim3A_909 : vector<1024x1xf32> to vector<1024x128xf32>
    %eq3A_911 = arith.cmpf oeq, %convert_element_type3A, %eq3A_910 : vector<1024x128xf32>
    %select_n3A_912 = arith.select %eq3A_911, %select_n3A_895, %select_n3A_894 : vector<1024x128xi1>, vector<1024x128xf32>
    %select_n3A_913 = arith.select %eq3A_911, %select_n3A_896, %select_n3A_895 : vector<1024x128xi1>, vector<1024x128xf32>
    %select_n3A_914 = arith.select %eq3A_911, %select_n3A_898, %select_n3A_896 : vector<1024x128xi1>, vector<1024x128xf32>
    %broadcast_in_dim3A_915 = vector.broadcast %bitcast_convert_type3A_20 : f32 to vector<1024x128xf32>
    %select_n3A_916 = arith.select %eq3A_911, %broadcast_in_dim3A_915, %select_n3A_898 : vector<1024x128xi1>, vector<1024x128xf32>
    %reduce_min3A_917 = arith.constant dense<0x7F800000> : vector<1024xf32>
    %reduce_min3A_918 = vector.multi_reduction <minimumf>, %select_n3A_912, %reduce_min3A_917 [1] : vector<1024x128xf32> to vector<1024xf32>
    %broadcast_in_dim3A_919 = vector.shape_cast %reduce_min3A_918 : vector<1024xf32> to vector<1024x1xf32>
    %eq3A_920 = vector.broadcast %broadcast_in_dim3A_919 : vector<1024x1xf32> to vector<1024x128xf32>
    %eq3A_921 = arith.cmpf oeq, %select_n3A_912, %eq3A_920 : vector<1024x128xf32>
    %jit3A_922 = arith.constant 1.280000e+02 : f32
    %broadcast_in_dim3A_923 = vector.broadcast %jit3A_922 : f32 to vector<1024x128xf32>
    %select_n3A_924 = arith.select %eq3A_921, %convert_element_type3A, %broadcast_in_dim3A_923 : vector<1024x128xi1>, vector<1024x128xf32>
    %reduce_min3A_925 = arith.constant dense<0x7F800000> : vector<1024xf32>
    %reduce_min3A_926 = vector.multi_reduction <minimumf>, %select_n3A_924, %reduce_min3A_925 [1] : vector<1024x128xf32> to vector<1024xf32>
    %broadcast_in_dim3A_927 = vector.shape_cast %reduce_min3A_926 : vector<1024xf32> to vector<1024x1xf32>
    %eq3A_928 = vector.broadcast %broadcast_in_dim3A_927 : vector<1024x1xf32> to vector<1024x128xf32>
    %eq3A_929 = arith.cmpf oeq, %convert_element_type3A, %eq3A_928 : vector<1024x128xf32>
    %select_n3A_930 = arith.select %eq3A_929, %select_n3A_913, %select_n3A_912 : vector<1024x128xi1>, vector<1024x128xf32>
    %select_n3A_931 = arith.select %eq3A_929, %select_n3A_914, %select_n3A_913 : vector<1024x128xi1>, vector<1024x128xf32>
    %select_n3A_932 = arith.select %eq3A_929, %select_n3A_916, %select_n3A_914 : vector<1024x128xi1>, vector<1024x128xf32>
    %broadcast_in_dim3A_933 = vector.broadcast %bitcast_convert_type3A_20 : f32 to vector<1024x128xf32>
    %select_n3A_934 = arith.select %eq3A_929, %broadcast_in_dim3A_933, %select_n3A_916 : vector<1024x128xi1>, vector<1024x128xf32>
    %reduce_min3A_935 = arith.constant dense<0x7F800000> : vector<1024xf32>
    %reduce_min3A_936 = vector.multi_reduction <minimumf>, %select_n3A_930, %reduce_min3A_935 [1] : vector<1024x128xf32> to vector<1024xf32>
    %broadcast_in_dim3A_937 = vector.shape_cast %reduce_min3A_936 : vector<1024xf32> to vector<1024x1xf32>
    %eq3A_938 = vector.broadcast %broadcast_in_dim3A_937 : vector<1024x1xf32> to vector<1024x128xf32>
    %eq3A_939 = arith.cmpf oeq, %select_n3A_930, %eq3A_938 : vector<1024x128xf32>
    %jit3A_940 = arith.constant 1.280000e+02 : f32
    %broadcast_in_dim3A_941 = vector.broadcast %jit3A_940 : f32 to vector<1024x128xf32>
    %select_n3A_942 = arith.select %eq3A_939, %convert_element_type3A, %broadcast_in_dim3A_941 : vector<1024x128xi1>, vector<1024x128xf32>
    %reduce_min3A_943 = arith.constant dense<0x7F800000> : vector<1024xf32>
    %reduce_min3A_944 = vector.multi_reduction <minimumf>, %select_n3A_942, %reduce_min3A_943 [1] : vector<1024x128xf32> to vector<1024xf32>
    %broadcast_in_dim3A_945 = vector.shape_cast %reduce_min3A_944 : vector<1024xf32> to vector<1024x1xf32>
    %eq3A_946 = vector.broadcast %broadcast_in_dim3A_945 : vector<1024x1xf32> to vector<1024x128xf32>
    %eq3A_947 = arith.cmpf oeq, %convert_element_type3A, %eq3A_946 : vector<1024x128xf32>
    %select_n3A_948 = arith.select %eq3A_947, %select_n3A_931, %select_n3A_930 : vector<1024x128xi1>, vector<1024x128xf32>
    %select_n3A_949 = arith.select %eq3A_947, %select_n3A_932, %select_n3A_931 : vector<1024x128xi1>, vector<1024x128xf32>
    %select_n3A_950 = arith.select %eq3A_947, %select_n3A_934, %select_n3A_932 : vector<1024x128xi1>, vector<1024x128xf32>
    %broadcast_in_dim3A_951 = vector.broadcast %bitcast_convert_type3A_20 : f32 to vector<1024x128xf32>
    %select_n3A_952 = arith.select %eq3A_947, %broadcast_in_dim3A_951, %select_n3A_934 : vector<1024x128xi1>, vector<1024x128xf32>
    %reduce_min3A_953 = arith.constant dense<0x7F800000> : vector<1024xf32>
    %reduce_min3A_954 = vector.multi_reduction <minimumf>, %select_n3A_948, %reduce_min3A_953 [1] : vector<1024x128xf32> to vector<1024xf32>
    %broadcast_in_dim3A_955 = vector.shape_cast %reduce_min3A_954 : vector<1024xf32> to vector<1024x1xf32>
    %eq3A_956 = vector.broadcast %broadcast_in_dim3A_955 : vector<1024x1xf32> to vector<1024x128xf32>
    %eq3A_957 = arith.cmpf oeq, %select_n3A_948, %eq3A_956 : vector<1024x128xf32>
    %jit3A_958 = arith.constant 1.280000e+02 : f32
    %broadcast_in_dim3A_959 = vector.broadcast %jit3A_958 : f32 to vector<1024x128xf32>
    %select_n3A_960 = arith.select %eq3A_957, %convert_element_type3A, %broadcast_in_dim3A_959 : vector<1024x128xi1>, vector<1024x128xf32>
    %reduce_min3A_961 = arith.constant dense<0x7F800000> : vector<1024xf32>
    %reduce_min3A_962 = vector.multi_reduction <minimumf>, %select_n3A_960, %reduce_min3A_961 [1] : vector<1024x128xf32> to vector<1024xf32>
    %broadcast_in_dim3A_963 = vector.shape_cast %reduce_min3A_962 : vector<1024xf32> to vector<1024x1xf32>
    %eq3A_964 = vector.broadcast %broadcast_in_dim3A_963 : vector<1024x1xf32> to vector<1024x128xf32>
    %eq3A_965 = arith.cmpf oeq, %convert_element_type3A, %eq3A_964 : vector<1024x128xf32>
    %select_n3A_966 = arith.select %eq3A_965, %select_n3A_949, %select_n3A_948 : vector<1024x128xi1>, vector<1024x128xf32>
    %select_n3A_967 = arith.select %eq3A_965, %select_n3A_950, %select_n3A_949 : vector<1024x128xi1>, vector<1024x128xf32>
    %select_n3A_968 = arith.select %eq3A_965, %select_n3A_952, %select_n3A_950 : vector<1024x128xi1>, vector<1024x128xf32>
    %broadcast_in_dim3A_969 = vector.broadcast %bitcast_convert_type3A_20 : f32 to vector<1024x128xf32>
    %select_n3A_970 = arith.select %eq3A_965, %broadcast_in_dim3A_969, %select_n3A_952 : vector<1024x128xi1>, vector<1024x128xf32>
    %reduce_min3A_971 = arith.constant dense<0x7F800000> : vector<1024xf32>
    %reduce_min3A_972 = vector.multi_reduction <minimumf>, %select_n3A_966, %reduce_min3A_971 [1] : vector<1024x128xf32> to vector<1024xf32>
    %broadcast_in_dim3A_973 = vector.shape_cast %reduce_min3A_972 : vector<1024xf32> to vector<1024x1xf32>
    %eq3A_974 = vector.broadcast %broadcast_in_dim3A_973 : vector<1024x1xf32> to vector<1024x128xf32>
    %eq3A_975 = arith.cmpf oeq, %select_n3A_966, %eq3A_974 : vector<1024x128xf32>
    %jit3A_976 = arith.constant 1.280000e+02 : f32
    %broadcast_in_dim3A_977 = vector.broadcast %jit3A_976 : f32 to vector<1024x128xf32>
    %select_n3A_978 = arith.select %eq3A_975, %convert_element_type3A, %broadcast_in_dim3A_977 : vector<1024x128xi1>, vector<1024x128xf32>
    %reduce_min3A_979 = arith.constant dense<0x7F800000> : vector<1024xf32>
    %reduce_min3A_980 = vector.multi_reduction <minimumf>, %select_n3A_978, %reduce_min3A_979 [1] : vector<1024x128xf32> to vector<1024xf32>
    %broadcast_in_dim3A_981 = vector.shape_cast %reduce_min3A_980 : vector<1024xf32> to vector<1024x1xf32>
    %eq3A_982 = vector.broadcast %broadcast_in_dim3A_981 : vector<1024x1xf32> to vector<1024x128xf32>
    %eq3A_983 = arith.cmpf oeq, %convert_element_type3A, %eq3A_982 : vector<1024x128xf32>
    %select_n3A_984 = arith.select %eq3A_983, %select_n3A_967, %select_n3A_966 : vector<1024x128xi1>, vector<1024x128xf32>
    %select_n3A_985 = arith.select %eq3A_983, %select_n3A_968, %select_n3A_967 : vector<1024x128xi1>, vector<1024x128xf32>
    %select_n3A_986 = arith.select %eq3A_983, %select_n3A_970, %select_n3A_968 : vector<1024x128xi1>, vector<1024x128xf32>
    %broadcast_in_dim3A_987 = vector.broadcast %bitcast_convert_type3A_20 : f32 to vector<1024x128xf32>
    %select_n3A_988 = arith.select %eq3A_983, %broadcast_in_dim3A_987, %select_n3A_970 : vector<1024x128xi1>, vector<1024x128xf32>
    %reduce_min3A_989 = arith.constant dense<0x7F800000> : vector<1024xf32>
    %reduce_min3A_990 = vector.multi_reduction <minimumf>, %select_n3A_984, %reduce_min3A_989 [1] : vector<1024x128xf32> to vector<1024xf32>
    %broadcast_in_dim3A_991 = vector.shape_cast %reduce_min3A_990 : vector<1024xf32> to vector<1024x1xf32>
    %eq3A_992 = vector.broadcast %broadcast_in_dim3A_991 : vector<1024x1xf32> to vector<1024x128xf32>
    %eq3A_993 = arith.cmpf oeq, %select_n3A_984, %eq3A_992 : vector<1024x128xf32>
    %jit3A_994 = arith.constant 1.280000e+02 : f32
    %broadcast_in_dim3A_995 = vector.broadcast %jit3A_994 : f32 to vector<1024x128xf32>
    %select_n3A_996 = arith.select %eq3A_993, %convert_element_type3A, %broadcast_in_dim3A_995 : vector<1024x128xi1>, vector<1024x128xf32>
    %reduce_min3A_997 = arith.constant dense<0x7F800000> : vector<1024xf32>
    %reduce_min3A_998 = vector.multi_reduction <minimumf>, %select_n3A_996, %reduce_min3A_997 [1] : vector<1024x128xf32> to vector<1024xf32>
    %broadcast_in_dim3A_999 = vector.shape_cast %reduce_min3A_998 : vector<1024xf32> to vector<1024x1xf32>
    %eq3A_1000 = vector.broadcast %broadcast_in_dim3A_999 : vector<1024x1xf32> to vector<1024x128xf32>
    %eq3A_1001 = arith.cmpf oeq, %convert_element_type3A, %eq3A_1000 : vector<1024x128xf32>
    %select_n3A_1002 = arith.select %eq3A_1001, %select_n3A_985, %select_n3A_984 : vector<1024x128xi1>, vector<1024x128xf32>
    %select_n3A_1003 = arith.select %eq3A_1001, %select_n3A_986, %select_n3A_985 : vector<1024x128xi1>, vector<1024x128xf32>
    %select_n3A_1004 = arith.select %eq3A_1001, %select_n3A_988, %select_n3A_986 : vector<1024x128xi1>, vector<1024x128xf32>
    %reduce_min3A_1005 = arith.constant dense<0x7F800000> : vector<1024xf32>
    %reduce_min3A_1006 = vector.multi_reduction <minimumf>, %select_n3A_1002, %reduce_min3A_1005 [1] : vector<1024x128xf32> to vector<1024xf32>
    %broadcast_in_dim3A_1007 = vector.shape_cast %reduce_min3A_1006 : vector<1024xf32> to vector<1024x1xf32>
    %eq3A_1008 = vector.broadcast %broadcast_in_dim3A_1007 : vector<1024x1xf32> to vector<1024x128xf32>
    %eq3A_1009 = arith.cmpf oeq, %select_n3A_1002, %eq3A_1008 : vector<1024x128xf32>
    %jit3A_1010 = arith.constant 1.280000e+02 : f32
    %broadcast_in_dim3A_1011 = vector.broadcast %jit3A_1010 : f32 to vector<1024x128xf32>
    %select_n3A_1012 = arith.select %eq3A_1009, %convert_element_type3A, %broadcast_in_dim3A_1011 : vector<1024x128xi1>, vector<1024x128xf32>
    %reduce_min3A_1013 = arith.constant dense<0x7F800000> : vector<1024xf32>
    %reduce_min3A_1014 = vector.multi_reduction <minimumf>, %select_n3A_1012, %reduce_min3A_1013 [1] : vector<1024x128xf32> to vector<1024xf32>
    %broadcast_in_dim3A_1015 = vector.shape_cast %reduce_min3A_1014 : vector<1024xf32> to vector<1024x1xf32>
    %eq3A_1016 = vector.broadcast %broadcast_in_dim3A_1015 : vector<1024x1xf32> to vector<1024x128xf32>
    %eq3A_1017 = arith.cmpf oeq, %convert_element_type3A, %eq3A_1016 : vector<1024x128xf32>
    %select_n3A_1018 = arith.select %eq3A_1017, %select_n3A_1003, %select_n3A_1002 : vector<1024x128xi1>, vector<1024x128xf32>
    %select_n3A_1019 = arith.select %eq3A_1017, %select_n3A_1004, %select_n3A_1003 : vector<1024x128xi1>, vector<1024x128xf32>
    %reduce_min3A_1020 = arith.constant dense<0x7F800000> : vector<1024xf32>
    %reduce_min3A_1021 = vector.multi_reduction <minimumf>, %select_n3A_1018, %reduce_min3A_1020 [1] : vector<1024x128xf32> to vector<1024xf32>
    %broadcast_in_dim3A_1022 = vector.shape_cast %reduce_min3A_1021 : vector<1024xf32> to vector<1024x1xf32>
    %eq3A_1023 = vector.broadcast %broadcast_in_dim3A_1022 : vector<1024x1xf32> to vector<1024x128xf32>
    %eq3A_1024 = arith.cmpf oeq, %select_n3A_1018, %eq3A_1023 : vector<1024x128xf32>
    %jit3A_1025 = arith.constant 1.280000e+02 : f32
    %broadcast_in_dim3A_1026 = vector.broadcast %jit3A_1025 : f32 to vector<1024x128xf32>
    %select_n3A_1027 = arith.select %eq3A_1024, %convert_element_type3A, %broadcast_in_dim3A_1026 : vector<1024x128xi1>, vector<1024x128xf32>
    %reduce_min3A_1028 = arith.constant dense<0x7F800000> : vector<1024xf32>
    %reduce_min3A_1029 = vector.multi_reduction <minimumf>, %select_n3A_1027, %reduce_min3A_1028 [1] : vector<1024x128xf32> to vector<1024xf32>
    %broadcast_in_dim3A_1030 = vector.shape_cast %reduce_min3A_1029 : vector<1024xf32> to vector<1024x1xf32>
    %eq3A_1031 = vector.broadcast %broadcast_in_dim3A_1030 : vector<1024x1xf32> to vector<1024x128xf32>
    %eq3A_1032 = arith.cmpf oeq, %convert_element_type3A, %eq3A_1031 : vector<1024x128xf32>
    %select_n3A_1033 = arith.select %eq3A_1032, %select_n3A_1019, %select_n3A_1018 : vector<1024x128xi1>, vector<1024x128xf32>
    %reduce_min3A_1034 = arith.constant dense<0x7F800000> : vector<1024xf32>
    %reduce_min3A_1035 = vector.multi_reduction <minimumf>, %select_n3A_1033, %reduce_min3A_1034 [1] : vector<1024x128xf32> to vector<1024xf32>
    %broadcast_in_dim3A_1036 = vector.shape_cast %reduce_min3A_1035 : vector<1024xf32> to vector<1024x1xf32>
    %eq3A_1037 = vector.broadcast %broadcast_in_dim3A_1036 : vector<1024x1xf32> to vector<1024x128xf32>
    %eq3A_1038 = arith.cmpf oeq, %select_n3A_1033, %eq3A_1037 : vector<1024x128xf32>
    %jit3A_1039 = arith.constant 1.280000e+02 : f32
    %broadcast_in_dim3A_1040 = vector.broadcast %jit3A_1039 : f32 to vector<1024x128xf32>
    %select_n3A_1041 = arith.select %eq3A_1038, %convert_element_type3A, %broadcast_in_dim3A_1040 : vector<1024x128xi1>, vector<1024x128xf32>
    %reduce_min3A_1042 = arith.constant dense<0x7F800000> : vector<1024xf32>
    %reduce_min3A_1043 = vector.multi_reduction <minimumf>, %select_n3A_1041, %reduce_min3A_1042 [1] : vector<1024x128xf32> to vector<1024xf32>
    %broadcast_in_dim3A_1044 = vector.shape_cast %reduce_min3A_1043 : vector<1024xf32> to vector<1024x1xf32>
    %concatenate3A = tpu.concatenate %broadcast_in_dim3A_454, %broadcast_in_dim3A_469, %broadcast_in_dim3A_487, %broadcast_in_dim3A_505, %broadcast_in_dim3A_523, %broadcast_in_dim3A_541, %broadcast_in_dim3A_559, %broadcast_in_dim3A_577, %broadcast_in_dim3A_595, %broadcast_in_dim3A_613, %broadcast_in_dim3A_631, %broadcast_in_dim3A_649, %broadcast_in_dim3A_667, %broadcast_in_dim3A_685, %broadcast_in_dim3A_703, %broadcast_in_dim3A_721, %broadcast_in_dim3A_739, %broadcast_in_dim3A_757, %broadcast_in_dim3A_775, %broadcast_in_dim3A_793, %broadcast_in_dim3A_811, %broadcast_in_dim3A_829, %broadcast_in_dim3A_847, %broadcast_in_dim3A_865, %broadcast_in_dim3A_883, %broadcast_in_dim3A_901, %broadcast_in_dim3A_919, %broadcast_in_dim3A_937, %broadcast_in_dim3A_955, %broadcast_in_dim3A_973, %broadcast_in_dim3A_991, %broadcast_in_dim3A_1007, %broadcast_in_dim3A_1022, %broadcast_in_dim3A_1036 in 1 : vector<1024x1xf32>, vector<1024x1xf32>, vector<1024x1xf32>, vector<1024x1xf32>, vector<1024x1xf32>, vector<1024x1xf32>, vector<1024x1xf32>, vector<1024x1xf32>, vector<1024x1xf32>, vector<1024x1xf32>, vector<1024x1xf32>, vector<1024x1xf32>, vector<1024x1xf32>, vector<1024x1xf32>, vector<1024x1xf32>, vector<1024x1xf32>, vector<1024x1xf32>, vector<1024x1xf32>, vector<1024x1xf32>, vector<1024x1xf32>, vector<1024x1xf32>, vector<1024x1xf32>, vector<1024x1xf32>, vector<1024x1xf32>, vector<1024x1xf32>, vector<1024x1xf32>, vector<1024x1xf32>, vector<1024x1xf32>, vector<1024x1xf32>, vector<1024x1xf32>, vector<1024x1xf32>, vector<1024x1xf32>, vector<1024x1xf32>, vector<1024x1xf32> -> vector<1024x34xf32>
    %bitcast_convert_type3A_1045 = tpu.bitcast %concatenate3A : vector<1024x34xf32> -> vector<1024x34xi32>
    %and3A_1046 = arith.constant -32 : i32
    %and3A_1047 = vector.broadcast %and3A_1046 : i32 to vector<1024x34xi32>
    %and3A_1048 = arith.andi %bitcast_convert_type3A_1045, %and3A_1047 : vector<1024x34xi32>
    %bitcast_convert_type3A_1049 = tpu.bitcast %and3A_1048 : vector<1024x34xi32> -> vector<1024x34xf32>
    %concatenate3A_1050 = tpu.concatenate %broadcast_in_dim3A_459, %broadcast_in_dim3A_477, %broadcast_in_dim3A_495, %broadcast_in_dim3A_513, %broadcast_in_dim3A_531, %broadcast_in_dim3A_549, %broadcast_in_dim3A_567, %broadcast_in_dim3A_585, %broadcast_in_dim3A_603, %broadcast_in_dim3A_621, %broadcast_in_dim3A_639, %broadcast_in_dim3A_657, %broadcast_in_dim3A_675, %broadcast_in_dim3A_693, %broadcast_in_dim3A_711, %broadcast_in_dim3A_729, %broadcast_in_dim3A_747, %broadcast_in_dim3A_765, %broadcast_in_dim3A_783, %broadcast_in_dim3A_801, %broadcast_in_dim3A_819, %broadcast_in_dim3A_837, %broadcast_in_dim3A_855, %broadcast_in_dim3A_873, %broadcast_in_dim3A_891, %broadcast_in_dim3A_909, %broadcast_in_dim3A_927, %broadcast_in_dim3A_945, %broadcast_in_dim3A_963, %broadcast_in_dim3A_981, %broadcast_in_dim3A_999, %broadcast_in_dim3A_1015, %broadcast_in_dim3A_1030, %broadcast_in_dim3A_1044 in 1 : vector<1024x1xf32>, vector<1024x1xf32>, vector<1024x1xf32>, vector<1024x1xf32>, vector<1024x1xf32>, vector<1024x1xf32>, vector<1024x1xf32>, vector<1024x1xf32>, vector<1024x1xf32>, vector<1024x1xf32>, vector<1024x1xf32>, vector<1024x1xf32>, vector<1024x1xf32>, vector<1024x1xf32>, vector<1024x1xf32>, vector<1024x1xf32>, vector<1024x1xf32>, vector<1024x1xf32>, vector<1024x1xf32>, vector<1024x1xf32>, vector<1024x1xf32>, vector<1024x1xf32>, vector<1024x1xf32>, vector<1024x1xf32>, vector<1024x1xf32>, vector<1024x1xf32>, vector<1024x1xf32>, vector<1024x1xf32>, vector<1024x1xf32>, vector<1024x1xf32>, vector<1024x1xf32>, vector<1024x1xf32>, vector<1024x1xf32>, vector<1024x1xf32> -> vector<1024x34xf32>
    %convert_element_type3A_1051 = arith.fptosi %concatenate3A_1050 : vector<1024x34xf32> to vector<1024x34xi32>
    %and3A_1052 = arith.constant 31 : i32
    %and3A_1053 = vector.broadcast %and3A_1052 : i32 to vector<1024x34xi32>
    %and3A_1054 = arith.andi %bitcast_convert_type3A_1045, %and3A_1053 : vector<1024x34xi32>
    %mul3A_1055 = arith.constant 128 : i32
    %mul3A_1056 = vector.broadcast %mul3A_1055 : i32 to vector<1024x34xi32>
    %mul3A_1057 = arith.muli %and3A_1054, %mul3A_1056 : vector<1024x34xi32>
    %add3A_1058 = arith.addi %mul3A_1057, %convert_element_type3A_1051 : vector<1024x34xi32>
    %sqrt3A = math.sqrt %bitcast_convert_type3A_1049 : vector<1024x34xf32>
    %mul3A_1059 = arith.constant 1024 : i32
    %mul3A_1060 = arith.muli %arg0, %mul3A_1059 : i32
    %iota3A_1061 = tpu.iota {dimensions = array<i32: 0>} : vector<1024x1xi32>
    %add3A_1062 = vector.broadcast %mul3A_1060 : i32 to vector<1024x1xi32>
    %add3A_1063 = arith.addi %add3A_1062, %iota3A_1061 : vector<1024x1xi32>
    %iota3A_1064 = tpu.iota {dimensions = array<i32: 1>} : vector<1024x34xi32>
    %eq3A_1065 = vector.broadcast %add3A_1063 : vector<1024x1xi32> to vector<1024x34xi32>
    %eq3A_1066 = arith.cmpi eq, %add3A_1058, %eq3A_1065 : vector<1024x34xi32>
    %jit3A_1067 = arith.constant 34 : i32
    %broadcast_in_dim3A_1068 = vector.broadcast %jit3A_1067 : i32 to vector<1024x34xi32>
    %select_n3A_1069 = arith.select %eq3A_1066, %iota3A_1064, %broadcast_in_dim3A_1068 : vector<1024x34xi1>, vector<1024x34xi32>
    %reduce_min3A_1070 = arith.constant dense<2147483647> : vector<1024xi32>
    %reduce_min3A_1071 = vector.multi_reduction <minsi>, %select_n3A_1069, %reduce_min3A_1070 [1] : vector<1024x34xi32> to vector<1024xi32>
    %broadcast_in_dim3A_1072 = vector.shape_cast %reduce_min3A_1071 : vector<1024xi32> to vector<1024x1xi32>
    %iota3A_1073 = tpu.iota {dimensions = array<i32: 1>} : vector<1024x33xi32>
    %lt3A = vector.broadcast %broadcast_in_dim3A_1072 : vector<1024x1xi32> to vector<1024x33xi32>
    %lt3A_1074 = arith.cmpi slt, %iota3A_1073, %lt3A : vector<1024x33xi32>
    %slice3A_1075 = vector.extract_strided_slice %sqrt3A {offsets = [0, 0], sizes = [1024, 33], strides = [1, 1]} : vector<1024x34xf32> to vector<1024x33xf32>
    %slice3A_1076 = vector.extract_strided_slice %sqrt3A {offsets = [0, 1], sizes = [1024, 33], strides = [1, 1]} : vector<1024x34xf32> to vector<1024x33xf32>
    %select_n3A_1077 = arith.select %lt3A_1074, %slice3A_1075, %slice3A_1076 : vector<1024x33xi1>, vector<1024x33xf32>
    %iota3A_1078 = tpu.iota {dimensions = array<i32: 1>} : vector<1024x32xi32>
    %lt3A_1079 = vector.broadcast %broadcast_in_dim3A_1072 : vector<1024x1xi32> to vector<1024x32xi32>
    %lt3A_1080 = arith.cmpi slt, %iota3A_1078, %lt3A_1079 : vector<1024x32xi32>
    %slice3A_1081 = vector.extract_strided_slice %add3A_1058 {offsets = [0, 0], sizes = [1024, 32], strides = [1, 1]} : vector<1024x34xi32> to vector<1024x32xi32>
    %slice3A_1082 = vector.extract_strided_slice %add3A_1058 {offsets = [0, 1], sizes = [1024, 32], strides = [1, 1]} : vector<1024x34xi32> to vector<1024x32xi32>
    %select_n3A_1083 = arith.select %lt3A_1080, %slice3A_1081, %slice3A_1082 : vector<1024x32xi1>, vector<1024x32xi32>
    %slice3A_1084 = vector.extract_strided_slice %select_n3A_1077 {offsets = [0, 32], sizes = [1024, 1], strides = [1, 1]} : vector<1024x33xf32> to vector<1024x1xf32>
    %squeeze3A = vector.shape_cast %slice3A_1084 : vector<1024x1xf32> to vector<1024xf32>
    %log3A = math.log %squeeze3A : vector<1024xf32>
    %swap3A = arith.constant 0 : index
    %swap3A_1085 = vector.load %arg5[%swap3A] : memref<1024xf32, #tpu.memory_space<vmem>>, vector<1024xf32>
    tpu.vector_store %arg5[%swap3A], %log3A {strides = array<i32>} : memref<1024xf32, #tpu.memory_space<vmem>>, vector<1024xf32>,
    %neg3A = arith.constant 0.000000e+00 : f32
    %neg3A_1086 = arith.constant 3.200000e+01 : f32
    %neg3A_1087 = arith.subf %neg3A, %neg3A_1086 : f32
    %slice3A_1088 = vector.extract_strided_slice %sqrt3A {offsets = [0, 0], sizes = [1024, 32], strides = [1, 1]} : vector<1024x34xf32> to vector<1024x32xf32>
    %slice3A_1089 = vector.extract_strided_slice %sqrt3A {offsets = [0, 32], sizes = [1024, 1], strides = [1, 1]} : vector<1024x34xf32> to vector<1024x1xf32>
    %div3A = vector.broadcast %slice3A_1089 : vector<1024x1xf32> to vector<1024x32xf32>
    %div3A_1090 = arith.divf %slice3A_1088, %div3A : vector<1024x32xf32>
    %add3A_1091 = arith.constant 9.99999974E-5 : f32
    %add3A_1092 = vector.broadcast %add3A_1091 : f32 to vector<1024x32xf32>
    %add3A_1093 = arith.addf %div3A_1090, %add3A_1092 : vector<1024x32xf32>
    %log3A_1094 = math.log %add3A_1093 : vector<1024x32xf32>
    %reduce_sum3A_1095 = arith.constant dense<0.000000e+00> : vector<1024xf32>
    %reduce_sum3A_1096 = vector.multi_reduction <add>, %log3A_1094, %reduce_sum3A_1095 [1] : vector<1024x32xf32> to vector<1024xf32>
    %div3A_1097 = vector.broadcast %neg3A_1087 : f32 to vector<1024xf32>
    %div3A_1098 = arith.divf %div3A_1097, %reduce_sum3A_1096 : vector<1024xf32>
    %swap3A_1099 = arith.constant 0 : index
    %swap3A_1100 = vector.load %arg3[%swap3A_1099] : memref<1024xf32, #tpu.memory_space<vmem>>, vector<1024xf32>
    tpu.vector_store %arg3[%swap3A_1099], %div3A_1098 {strides = array<i32>} : memref<1024xf32, #tpu.memory_space<vmem>>, vector<1024xf32>,
    %slice3A_1101 = vector.extract_strided_slice %sqrt3A {offsets = [0, 32], sizes = [1024, 1], strides = [1, 1]} : vector<1024x34xf32> to vector<1024x1xf32>
    %squeeze3A_1102 = vector.shape_cast %slice3A_1101 : vector<1024x1xf32> to vector<1024xf32>
    %log3A_1103 = math.log %squeeze3A_1102 : vector<1024xf32>
    %mul3A_1104 = arith.mulf %div3A_1098, %log3A_1103 : vector<1024xf32>
    %swap3A_1105 = arith.constant 0 : index
    %swap3A_1106 = vector.load %arg4[%swap3A_1105] : memref<1024xf32, #tpu.memory_space<vmem>>, vector<1024xf32>
    tpu.vector_store %arg4[%swap3A_1105], %mul3A_1104 {strides = array<i32>} : memref<1024xf32, #tpu.memory_space<vmem>>, vector<1024xf32>,
    %gt3A = vector.broadcast %add3A_1063 : vector<1024x1xi32> to vector<1024x32xi32>
    %gt3A_1107 = arith.cmpi sgt, %select_n3A_1083, %gt3A : vector<1024x32xi32>
    %convert_element_type3A_1108 = arith.extui %gt3A_1107 : vector<1024x32xi1> to vector<1024x32xi32>
    %sub3A = arith.subi %select_n3A_1083, %convert_element_type3A_1108 : vector<1024x32xi32>
    %swap3A_1109 = arith.constant 0 : index
    %swap3A_1110 = arith.constant 0 : index
    %swap3A_1111 = vector.load %arg6[%swap3A_1109, %swap3A_1110] : memref<1024x32xi32, #tpu.memory_space<vmem>>, vector<1024x32xi32>
    tpu.vector_store %arg6[%swap3A_1109, %swap3A_1110], %sub3A {strides = array<i32>} : memref<1024x32xi32, #tpu.memory_space<vmem>>, vector<1024x32xi32>,
    return
  }
  func.func @transform_0(%arg0: i32) -> (i32, i32) {
    %c0_i32 = arith.constant 0 : i32
    %c0_i32_0 = arith.constant 0 : i32
    return %arg0, %c0_i32 : i32, i32
  }
  func.func @transform_1(%arg0: i32) -> (i32, i32) {
    %c0_i32 = arith.constant 0 : i32
    %c0_i32_0 = arith.constant 0 : i32
    %c0_i32_1 = arith.constant 0 : i32
    return %c0_i32, %c0_i32_0 : i32, i32
  }
  func.func @transform_2(%arg0: i32) -> i32 {
    %c0_i32 = arith.constant 0 : i32
    return %arg0 : i32
  }
  func.func @transform_3(%arg0: i32) -> i32 {
    %c0_i32 = arith.constant 0 : i32
    return %arg0 : i32
  }
  func.func @transform_4(%arg0: i32) -> i32 {
    %c0_i32 = arith.constant 0 : i32
    return %arg0 : i32
  }
  func.func @transform_5(%arg0: i32) -> (i32, i32) {
    %c0_i32 = arith.constant 0 : i32
    %c0_i32_0 = arith.constant 0 : i32
    return %arg0, %c0_i32 : i32, i32
  }
}

</mosaic_0001>

<sc_bundles>
// kernel: kernel.4.cloned.1.call-start
scs
__scs_entry_jumppad:
0x0: {  	(pc) =	sbr.rel $0x88, $3  }
0x1: {  	(tag) =	ssettag $0x0;
	lr =	simm.s32 $0x1  }
0x2: {  	[smem:$0x3FA0] =	sst lr;
	_ =	strace $0xD0000000  }
0x3: {  	_ = 	snop  }
0x4: {  	_ = 	snop  }
0x5: {  	_ = 	snop  }
0x6: {  	_ = 	snop  }
0x7: {  	_ = 	snop  }
__scs_overlays_trampoline_lowered:
0x8: {  	[smem:$0x3FAF] =	sst s0  }
0x9: {  	[smem:$0x3FB0] =	sst s1  }
0xa: {  	[smem:$0x3FB1] =	sst s2  }
0xb: {  	[smem:$0x3FB2] =	sst s3  }
0xc: {  	[smem:$0x3FB3] =	sst s4  }
0xd: {  	[smem:$0x3FB4] =	sst s5  }
0xe: {  	[smem:$0x3FB5] =	sst s6  }
0xf: {  	[smem:$0x3FB6] =	sst s7  }
0x10: {  	[smem:$0x3FB7] =	sst s8  }
0x11: {  	[smem:$0x3FB8] =	sst s9;
	s0 =	simm.s32 @!p0 $0x0  }
0x12: {  	s1 =	sld [smem:$0x3F9E];
	s0 =	simm.s32 @p0 $0x1  }
0x13: {  	[smem:$0x3FB9] =	sst s0;
	s0 =	simm.s32 @!p1 $0x0  }
0x14: {  	s2 =	sld [smem:$0x3F9D];
	s0 =	simm.s32 @p1 $0x1  }
0x15: {  	[smem:$0x3FBA] =	sst s0;
	s0 =	simm.s32 @!p2 $0x0  }
0x16: {  	s3 =	sld [smem:$0x3FDB];
	s0 =	simm.s32 @p2 $0x1  }
0x17: {  	s4 =	simm.s32 $0x1BF5;
	[smem:$0x3FBC] =	sst s0  }
0x18: {  	s0 =	sld [smem:$0x3F9F];
	_ =	swait.ge [sflag:s4], $0x0  }
0x19: {  	s7 =	sld [smem:$0x3FA0]  }
0x1a: {  	s8 =	sadd.s32 $0xFFFFE003, lr  }
0x1b: {  	s9 =	sadd.s32 $0xFFFFFEF7, lr;
	s5 =	simm.s32 $0xFFFFFFFF;
	p2 =	slt.u32 s8, $0xFFFFF086  }
0x1c: {  	p1 =	slt.u32 s9, $0xF7A;
	s5 =	simm.s32 @!p2 $0x0  }
0x1d: {  	s5 =	simm.s32 @p1 $0x1;
	p0 =	seq.s32 s7, s2  }
0x1e: {  	s7 =	smul.u32 @!p0 $0xF7A, s2;
	p2 =	seq.s32 @!p0 s5, $0x0  }
0x1f: {  	s9 =	smul.u32 $0xF7A, s1;
	s8 =	simm.s32 @!p0 $0x1BF5;
	p2 =	por !p2, p0  }
0x20: {  	[sflag:s8] =	ssyncset.s32 @!p0 $0xFFFFF086;
	s6 =	sadd.s32 @!p0 s3, s7;
	s7 =	simm.s32 @!p0 $0x108  }
0x21: {  	s3 =	sadd.s32 s3, s9;
	s6 =	sadd.s32 @!p0 $0x88, s6;
	s7 =	simm.s32 @p2 $0x1082  }
0x22: {  	[simem:s7], [sflag:s8] =	dma.local @!p0 [hbm:s6], $0xF7A  }
0x23: {  	s9 =	sor.u32 $0xD0000000, s2;
	s6 =	simm.s32 $0x108;
	_ =	swait.ge @!p0 [sflag:s8], $0x0  }
0x24: {  	s3 =	sadd.s32 $0x88, s3;
	s6 =	simm.s32 @!p1 $0x1082;
	[sflag:s4] =	ssyncset.s32 $0xFFFFF086  }
0x25: {  	[simem:s6], [sflag:s4] =	dma.local [hbm:s3], $0xF7A  }
0x26: {  	[smem:$0x3FA0] =	sst s1;
	(tag) =	ssettag s2;
	_ =	strace s9  }
0x27: {  	s1 =	sld [smem:$0x3FB0]  }
0x28: {  	s2 =	sld [smem:$0x3FB1]  }
0x29: {  	s4 =	sld [smem:$0x3FB3]  }
0x2a: {  	p0 =	seq.s32 s5, $0x0;
	s5 =	sld [smem:$0x3FB4]  }
0x2b: {  	s6 =	sld [smem:$0x3FB5]  }
0x2c: {  	s7 =	sld [smem:$0x3FB6]  }
0x2d: {  	s3 =	simm.s32 $0x108;
	s8 =	sld [smem:$0x3FB7]  }
0x2e: {  	s3 =	simm.s32 @!p0 $0x1082;
	s9 =	sld [smem:$0x3FB8]  }
0x2f: {  	lr =	sadd.s32 s0, s3;
	s0 =	sld [smem:$0x3FAF]  }
0x30: {  	s3 =	sld [smem:$0x3FB2]  }
0x31: {  	[smem:$0x3FBB] =	sst s10  }
0x32: {  	s10 =	sld [smem:$0x3FB9];
	_ =	sdelay $0x3  }
0x33: {  	p0 =	seq.s32 s10, $0x1;
	s10 =	sld [smem:$0x3FBB];
	_ =	sdelay $0x3  }
0x34: {  	[smem:$0x3FBB] =	sst s10  }
0x35: {  	s10 =	sld [smem:$0x3FBA];
	_ =	sdelay $0x3  }
0x36: {  	p1 =	seq.s32 s10, $0x1;
	s10 =	sld [smem:$0x3FBB];
	_ =	sdelay $0x3  }
0x37: {  	[smem:$0x3FBB] =	sst s10  }
0x38: {  	s10 =	sld [smem:$0x3FBC]  }
0x39: {  	_ = 	snop;
	(pc) =	sbr.ind lr, $3  }
0x3a: {  	_ = 	snop  }
0x3b: {  	_ = 	snop  }
0x3c: {  	p2 =	seq.s32 s10, $0x1;
	s10 =	sld [smem:$0x3FBB]  }
0x3d: {  	_ =	shalt  }
0x3e: {  	_ =	shalt  }
0x3f: {  	_ =	shalt  }
0x40: {  	_ =	shalt  }
0x41: {  	_ =	shalt  }
0x42: {  	_ =	shalt  }
0x43: {  	_ =	shalt  }
0x44: {  	_ =	shalt  }
0x45: {  	_ =	shalt  }
0x46: {  	_ =	shalt  }
0x47: {  	_ =	shalt  }
0x48: {  	_ =	shalt  }
0x49: {  	_ =	shalt  }
0x4a: {  	_ =	shalt  }
0x4b: {  	_ =	shalt  }
0x4c: {  	_ =	shalt  }
0x4d: {  	_ =	shalt  }
0x4e: {  	_ =	shalt  }
0x4f: {  	_ =	shalt  }
0x50: {  	_ =	shalt  }
0x51: {  	_ =	shalt  }
0x52: {  	_ =	shalt  }
0x53: {  	_ =	shalt  }
0x54: {  	_ =	shalt  }
0x55: {  	_ =	shalt  }
0x56: {  	_ =	shalt  }
0x57: {  	_ =	shalt  }
0x58: {  	_ =	shalt  }
0x59: {  	_ =	shalt  }
0x5a: {  	_ =	shalt  }
0x5b: {  	_ =	shalt  }
0x5c: {  	_ =	shalt  }
0x5d: {  	_ =	shalt  }
0x5e: {  	_ =	shalt  }
0x5f: {  	_ =	shalt  }
0x60: {  	_ =	shalt  }
0x61: {  	_ =	shalt  }
0x62: {  	_ =	shalt  }
0x63: {  	_ =	shalt  }
0x64: {  	_ =	shalt  }
0x65: {  	_ =	shalt  }
0x66: {  	_ =	shalt  }
0x67: {  	_ =	shalt  }
0x68: {  	_ =	shalt  }
0x69: {  	_ =	shalt  }
0x6a: {  	_ =	shalt  }
0x6b: {  	_ =	shalt  }
0x6c: {  	_ =	shalt  }
0x6d: {  	_ =	shalt  }
0x6e: {  	_ =	shalt  }
0x6f: {  	_ =	shalt  }
0x70: {  	_ =	shalt  }
0x71: {  	_ =	shalt  }
0x72: {  	_ =	shalt  }
0x73: {  	_ =	shalt  }
0x74: {  	_ =	shalt  }
0x75: {  	_ =	shalt  }
0x76: {  	_ =	shalt  }
0x77: {  	_ =	shalt  }
0x78: {  	_ =	shalt  }
0x79: {  	_ =	shalt  }
0x7a: {  	_ =	shalt  }
0x7b: {  	_ =	shalt  }
0x7c: {  	_ =	shalt  }
0x7d: {  	_ =	shalt  }
0x7e: {  	_ =	shalt  }
0x7f: {  	_ =	shalt  }
0x80: {  	_ =	shalt  }
0x81: {  	_ =	shalt  }
0x82: {  	_ =	shalt  }
0x83: {  	_ =	shalt  }
0x84: {  	_ =	shalt  }
0x85: {  	_ =	shalt  }
0x86: {  	_ =	shalt  }
0x87: {  	_ =	shalt  }
.Lfunc_end0:
.L_simem_size_0:
called_computation_lowered:
.L_overlay_start_0:
0x88: {  	s2 =	sld [smem:$0x3FD9]  }
0x89: {  	s3 =	sld [smem:$0x3FFE];
	_ =	sdelay $0x1  }
0x8a: {  	s1 =	srdreg.scid  }
0x8b: {  	s0 =	sand.u32 $0x1, s1  }
0x8c: {  	s17 =	sshll.u32 s0, $0xA;
	s2 =	sadd.s32 s3, s2  }
0x8d: {  	s2 =	sadd.s32 s2, s17  }
0x8e: {  	[smem:$0x3FC7] =	sst s2  }
0x8f: {  	_ = 	snop  }
0x90: {  	s2 =	sld [smem:$0x3FD0];
	(tm) =	ssettm $0x1  }
0x91: {  	s18 =	sld [smem:$0x3FFB];
	_ =	sdelay $0x3  }
0x92: {  	_ =	strace s18  }
0x93: {  	s3 =	sld [smem:$0x3FFC];
	_ =	sdelay $0x3  }
0x94: {  	_ =	strace s3  }
0x95: {  	s3 =	sld [smem:$0x3FFD];
	_ =	sdelay $0x3  }
0x96: {  	_ =	strace s3  }
0x97: {  	_ =	strace $0x8FFFFFFF  }
0x98: {  	s19 =	sld [smem:$0x3FDB];
	_ =	sdelay $0x1  }
0x99: {  	s4 =	simm.s32 $_scs_section_size  }
0x9a: {  	s5 =	simm.s32 $_size__tile_overlayer_lowered;
	s6 =	simm.s32 $_tile_overlayer_lowered  }
0x9b: {  	s22 =	simm.s32 $0x1BFF;
	s21 =	sshll.u32 s6, $0x1;
	s3 =	sadd.s32 s4, s19  }
0x9c: {  	s7 =	simm.s32 $0x0;
	s20 =	sshll.u32 s5, $0x1;
	s5 =	sadd.s32 s21, s3  }
0x9d: {  	[timem:s7], [sflag:s22] =	dma.local [hbm:s5], s20  }
0x9e: {  	_ =	swait.ge [sflag:s22], s20  }
0x9f: {  	s4 =	ssub.s32 $0x0, s20;
	[sflag:s22] =	ssyncset.done $0x0  }
0xa0: {  	[sflag:s22] =	ssyncadd.s32 s4;
	_ =	sdelay $0x1  }
0xa1: {  	s23 =	simm.s32 $0x1B8B  }
0xa2: {  	_ =	swait.ge [sflag:s23], $0x1  }
0xa3: {  	[sflag:s23] =	ssyncset.done $0x0  }
0xa4: {  	s25 =	simm.s32 $0x1B8E;
	s24 =	sld [smem:$0x3FFE];
	[sflag:s23] =	ssyncadd.s32 $0xFFFFFFFF  }
0xa5: {  	s26 =	simm.s32 $execute0_lowered;
	[smem:$0x3FD2] =	sst s25  }
0xa6: {  	s5 =	sshll.u32 s26, $0x1;
	_ =	strace $0x80000046;
	[dreg:$0x1] =	wrdreg $0xFFFFFFFF  }
0xa7: {  	s28 =	simm.s32 $_size_execute0_lowered;
	s3 =	sadd.s32 s3, s5;
	[dreg:$0x0] =	wrdreg $0x0  }
0xa8: {  	s5 =	sshll.u32 s28, $0x1;
	[dreg:$0x2] =	wrdreg s3  }
0xa9: {  	[dreg:$0x3] =	wrdreg s5  }
0xaa: {  	[dreg:$0x4] =	wrdreg $0xC0  }
0xab: {  	_ =	task [dreg:s7], $0x5FFFF  }
0xac: {  	[dreg:$0x1] =	wrdreg $0xFFFFFFFF  }
0xad: {  	[dreg:$0x0] =	wrdreg $0x60  }
0xae: {  	[dreg:$0x2] =	wrdreg s24  }
0xaf: {  	[dreg:$0x3] =	wrdreg s2  }
0xb0: {  	[dreg:$0x4] =	wrdreg $0x9  }
0xb1: {  	_ =	task.clear_ibuf [dreg:s7], $0x5FFFF;
	_ =	strace $0x90000046  }
0xb2: {  	s29 =	simm.s32 $0x9;
	_ =	strace $0x80000048  }
0xb3: {  	_ =	swait.ge [sflag:s29], $0x1  }
0xb4: {  	[sflag:s29] =	ssyncadd.s32 $0xFFFFFFFF  }
0xb5: {  	_ =	strace $0x90000048  }
0xb6: {  	_ =	sfence  }
0xb7: {  	s30 =	sld [smem:$0x0];
	_ =	sdelay $0x2  }
0xb8: {  	s31 =	sshll.u32 s1, $0xD;
	s1 =	sshrl.u32 s1, $0x2  }
0xb9: {  	s3 =	sand.u32 $0x4000, s31;
	s1 =	sadd.s32 s1, s30  }
0xba: {  	s0 =	sor.u32 s3, s0;
	s1 =	sshll.u32 s1, $0x11  }
0xbb: {  	s0 =	sor.u32 s1, s0  }
0xbc: {  	s0 =	sadd.s32 $0x8F2B, s0  }
0xbd: {  	[sflag:s0] =	ssyncadd.remote.s32 $0x1  }
0xbe: {  	_ =	sfence.sel $0xFFFF  }
0xbf: {  	[dreg:$0x0] =	wrdreg $0xFFFFFFFF;
	(pc) =	sbr.abs _section_cstart, $3  }
0xc0: {  	[dreg:$0x1] =	wrdreg $0xFFFFFFFF  }
0xc1: {  	_ =	task.clear_ibuf [dreg:s7], $0x2FFFF;
	_ =	strace $0x9FFFFFFF  }
0xc2: {  	(tm) =	ssettm $0x7FFFFFFF  }
0xc3: {  	_ =	shalt  }
tec
execute0_lowered:
.L_overlay_start_1:
0x0: {  	(tag) =	ssettag $0x1  }
0x1: {  	s5 =	rddreg [dreg:$0x0]  }
0x2: {  	s7 =	rddreg [dreg:$0x1]  }
0x3: {  	s0 =	rddreg [dreg:$0x2]  }
0x4: {  	s2 =	simm.s32 $0x0;
	s3 =	srdreg.scid;
	s1 =	stileid.u32  }
0x5: {  	s12 =	simm.s32 $0x2080;
	s13 =	simm.s32 $0x3080;
	s14 =	simm.s32 $0x0  }
0x6: {  	[smem:$0x7FF] =	sst s2;
	s6 =	sand.u32 $0x1, s3;
	s4 =	sshll.u32 s1, $0x1  }
0x7: {  	v0 =	vlaneseq.u32;
	s3 =	sadd.s32 $0xE00, s5;
	_ =	strace $0x80000047;
	s8 =	sor.u32 s6, s4  }
0x8: {  	v0 =	vmul.u32 $0x20, v0;
	s4 =	sadd.s32 $0x1000, s5;
	s6 =	ssub.s32 $0x2, s6;
	s9 =	sshll.u32 s8, $0x4  }
0x9: {  	s8 =	sshll.u32 s8, $0x9;
	s11 =	sshrl.u32 s6, $0x1;
	s10 =	sadd.s32 s9, s5  }
0xa: {  	v1 =	vor.u32 $0x200, v0;
	s8 =	sadd.s32 s8, s5;
	s11 =	ssub.s32 s6, s11;
	s7 =	sadd.s32 s7, s9  }
0xb: {  	v2 =	vor.u32 $0x400, v0;
	v3 =	vor.u32 $0x600, v0;
	v4 =	vor.u32 $0x800, v0;
	s9 =	simm.s32 $0x1;
	s5 =	sadd.s32 $0x1200, s10;
	s6 =	sadd.s32 $0x1400, s8  }
0xc: {  	v5 =	vor.u32 $0xA00, v0;
	v6 =	vor.u32 $0xC00, v0;
	v7 =	vor.u32 $0xE00, v0;
	s8 =	smax.u32 s11, $0x1;
	s10 =	simm.s32 $0x1000;
	s11 =	simm.s32 $0x2000  }
.LBB2_1:
0xd: {  	[tilespmem:s2], [sflag:$0x1] =	stream.linear.gather [hbm4b:s3+s2], $0x1000, $0x38;
	[tilespmem:$0x3100] =	vst v63  }
0xe: {  	_ =	swait.ge [sflag:s9], $0x1000  }
0xf: {  	[sflag:s9] =	ssyncset.done $0x0  }
0x10: {  	[sflag:s9] =	ssyncadd.s32 $0xFFFFF000  }
0x11: {  	[tilespmem:s10], [sflag:$0x1] =	stream.linear.gather [hbm4b:s4+s2], $0x1000, $0x38;
	[tilespmem:$0x3100] =	vst v63  }
0x12: {  	_ =	swait.ge [sflag:s9], $0x1000  }
0x13: {  	[sflag:s9] =	ssyncset.done $0x0  }
0x14: {  	[sflag:s9] =	ssyncadd.s32 $0xFFFFF000  }
0x15: {  	[tilespmem:s11], [sflag:$0x1] =	stream.linear.gather [hbm4b:s5+s2], $0x80, $0x38;
	[tilespmem:$0x3100] =	vst v63  }
0x16: {  	_ =	swait.ge [sflag:s9], $0x80  }
0x17: {  	[sflag:s9] =	ssyncset.done $0x0  }
0x18: {  	v8 =	vor.u32 s2, v0;
	[sflag:s9] =	ssyncadd.s32 $0xFFFFFF80  }
0x19: {  	[tilespmem:s12], [sflag:$0x1] =	stream.linear.gather [hbm4b:s6+s2], $0x1000, $0x38;
	[tilespmem:$0x3100] =	vst v63  }
0x1a: {  	_ =	swait.ge [sflag:s9], $0x1000  }
0x1b: {  	[sflag:s9] =	ssyncset.done $0x0  }
0x1c: {  	[sflag:s9] =	ssyncadd.s32 $0xFFFFF000  }
0x1d: {  	v11 =	vld.idx.msk [tilespmem:v8+s12+$0x0], $0xffff  }
0x1e: {  	s15 =	simm.s32 $0x1  }
0x1f: {  	v8 =	vor.u32 s15, v0;
	_ =	sdelay $0x4  }
0x20: {  	v10 =	vld.idx.msk [tilespmem:v8+s12+$0x0], $0xffff  }
0x21: {  	v9 =	vld.idx.msk [tilespmem:v11+s10+$0x0], $0xffff;
	_ =	sdelay $0x1  }
0x22: {  	v12 =	vld.idx.msk [tilespmem:v11+s2+$0x0], $0xffff  }
0x23: {  	s31 =	simm.s32 $0x2  }
0x24: {  	v13 =	vor.u32 s31, v0;
	s15 =	simm.s32 $0x3;
	v8 =	vimm.f32 $0.0e+00;
	v11 =	vimm.f32 $0.0e+00  }
.LBB2_2:
0x25: {  	p0 =	sne.s32 s15, $0x1F;
	v8 =	vadd.f32 v9, v8;
	v14 =	vmov v10;
	_ =	sdelay $0x1  }
0x26: {  	v11 =	vadd.f32 v12, v11  }
0x27: {  	v9 =	vld.idx.msk [tilespmem:v10+s10+$0x0], $0xffff  }
.Ltmp0:
0x28: {  	v10 =	vld.idx.msk [tilespmem:v13+s12+$0x0], $0xffff;
	(pc) =	sbr.rel @p0 .LBB2_2-.Ltmp0, $2  }
0x29: {  	v12 =	vld.idx.msk [tilespmem:v14+s2+$0x0], $0xffff;
	_ =	sdelay $0x2  }
0x2a: {  	v13 =	vor.u32 s15, v0;
	s15 =	sadd.s32 $0x1, s15  }
0x2b: {  	_ =	sdelay $0x3  }
0x2c: {  	v13 =	vld.idx.msk [tilespmem:v13+s12+$0x0], $0xffff;
	_ =	sdelay $0x5  }
0x2d: {  	v14 =	vld.idx.msk [tilespmem:v10+s2+$0x0], $0xffff  }
0x2e: {  	v10 =	vld.idx.msk [tilespmem:v10+s10+$0x0], $0xffff  }
0x2f: {  	v15 =	vld.idx.msk [tilespmem:v13+s2+$0x0], $0xffff  }
0x30: {  	v11 =	vadd.f32 v12, v11  }
0x31: {  	v12 =	vld.idx.msk [tilespmem:v13+s10+$0x0], $0xffff  }
0x32: {  	v8 =	vadd.f32 v9, v8;
	v9 =	vadd.f32 v14, v11  }
0x33: {  	v11 =	vld [tilespmem:$0x2000]  }
0x34: {  	v8 =	vadd.f32 v10, v8;
	v9 =	vadd.f32 v15, v9;
	_ =	sdelay $0x1  }
0x35: {  	v8 =	vadd.f32 v12, v8;
	v9 =	vmul.f32 $3.125000000e-02, v9;
	_ =	sdelay $0x1  }
0x36: {  	v8 =	vmul.f32 $3.125000000e-02, v8;
	v9 =	vmul.f32 v11, v9;
	_ =	sdelay $0x1  }
0x37: {  	v8 =	vsub.f32 v9, v8  }
0x38: {  	s15 =	simm.s32 $0x0  }
0x39: {  	v9 =	vor.u32 s15, v1;
	vm0 =	veq.f32 v8, $+Inf  }
0x3a: {  	v8 =	vsel vm0, $0x447A0000, v8  }
0x3b: {  	vm0 =	veq.f32 v8, $-Inf  }
0x3c: {  	v8 =	vsel vm0, $0x0, v8  }
0x3d: {  	[tilespmem:$0x3080] =	vst v8  }
0x3e: {  	v11 =	vld.idx.msk [tilespmem:v9+s12+$0x0], $0xffff  }
0x3f: {  	s30 =	simm.s32 $0x1  }
0x40: {  	v8 =	vor.u32 s30, v1;
	_ =	sdelay $0x4  }
0x41: {  	v10 =	vld.idx.msk [tilespmem:v8+s12+$0x0], $0xffff  }
0x42: {  	v9 =	vld.idx.msk [tilespmem:v11+s10+$0x0], $0xffff;
	_ =	sdelay $0x1  }
0x43: {  	v12 =	vld.idx.msk [tilespmem:v11+s2+$0x0], $0xffff  }
0x44: {  	s31 =	simm.s32 $0x2  }
0x45: {  	v13 =	vor.u32 s31, v1;
	s15 =	simm.s32 $0x3;
	v8 =	vimm.f32 $0.0e+00;
	v11 =	vimm.f32 $0.0e+00  }
.LBB2_4:
0x46: {  	p0 =	sne.s32 s15, $0x1F;
	v8 =	vadd.f32 v9, v8;
	v14 =	vmov v10;
	_ =	sdelay $0x1  }
0x47: {  	v11 =	vadd.f32 v12, v11  }
0x48: {  	v9 =	vld.idx.msk [tilespmem:v10+s10+$0x0], $0xffff  }
.Ltmp1:
0x49: {  	v10 =	vld.idx.msk [tilespmem:v13+s12+$0x0], $0xffff;
	(pc) =	sbr.rel @p0 .LBB2_4-.Ltmp1, $2  }
0x4a: {  	v12 =	vld.idx.msk [tilespmem:v14+s2+$0x0], $0xffff;
	_ =	sdelay $0x2  }
0x4b: {  	v13 =	vor.u32 s15, v1;
	s15 =	sadd.s32 $0x1, s15  }
0x4c: {  	_ =	sdelay $0x3  }
0x4d: {  	v13 =	vld.idx.msk [tilespmem:v13+s12+$0x0], $0xffff;
	_ =	sdelay $0x5  }
0x4e: {  	v14 =	vld.idx.msk [tilespmem:v10+s2+$0x0], $0xffff  }
0x4f: {  	v10 =	vld.idx.msk [tilespmem:v10+s10+$0x0], $0xffff  }
0x50: {  	v15 =	vld.idx.msk [tilespmem:v13+s2+$0x0], $0xffff  }
0x51: {  	v11 =	vadd.f32 v12, v11  }
0x52: {  	v12 =	vld.idx.msk [tilespmem:v13+s10+$0x0], $0xffff  }
0x53: {  	v8 =	vadd.f32 v9, v8;
	v9 =	vadd.f32 v14, v11  }
0x54: {  	v11 =	vld [tilespmem:$0x2010]  }
0x55: {  	v8 =	vadd.f32 v10, v8;
	v9 =	vadd.f32 v15, v9;
	_ =	sdelay $0x1  }
0x56: {  	v8 =	vadd.f32 v12, v8;
	v9 =	vmul.f32 $3.125000000e-02, v9;
	_ =	sdelay $0x1  }
0x57: {  	v8 =	vmul.f32 $3.125000000e-02, v8;
	v9 =	vmul.f32 v11, v9;
	_ =	sdelay $0x1  }
0x58: {  	v8 =	vsub.f32 v9, v8  }
0x59: {  	s15 =	simm.s32 $0x0  }
0x5a: {  	v9 =	vor.u32 s15, v2;
	vm0 =	veq.f32 v8, $+Inf  }
0x5b: {  	v8 =	vsel vm0, $0x447A0000, v8  }
0x5c: {  	vm0 =	veq.f32 v8, $-Inf  }
0x5d: {  	v8 =	vsel vm0, $0x0, v8  }
0x5e: {  	[tilespmem:$0x3090] =	vst v8  }
0x5f: {  	v11 =	vld.idx.msk [tilespmem:v9+s12+$0x0], $0xffff  }
0x60: {  	s30 =	simm.s32 $0x1  }
0x61: {  	v8 =	vor.u32 s30, v2;
	_ =	sdelay $0x4  }
0x62: {  	v10 =	vld.idx.msk [tilespmem:v8+s12+$0x0], $0xffff  }
0x63: {  	v9 =	vld.idx.msk [tilespmem:v11+s10+$0x0], $0xffff;
	_ =	sdelay $0x1  }
0x64: {  	v12 =	vld.idx.msk [tilespmem:v11+s2+$0x0], $0xffff  }
0x65: {  	s31 =	simm.s32 $0x2  }
0x66: {  	v13 =	vor.u32 s31, v2;
	s15 =	simm.s32 $0x3;
	v8 =	vimm.f32 $0.0e+00;
	v11 =	vimm.f32 $0.0e+00  }
.LBB2_6:
0x67: {  	p0 =	sne.s32 s15, $0x1F;
	v8 =	vadd.f32 v9, v8;
	v14 =	vmov v10;
	_ =	sdelay $0x1  }
0x68: {  	v11 =	vadd.f32 v12, v11  }
0x69: {  	v9 =	vld.idx.msk [tilespmem:v10+s10+$0x0], $0xffff  }
.Ltmp2:
0x6a: {  	v10 =	vld.idx.msk [tilespmem:v13+s12+$0x0], $0xffff;
	(pc) =	sbr.rel @p0 .LBB2_6-.Ltmp2, $2  }
0x6b: {  	v12 =	vld.idx.msk [tilespmem:v14+s2+$0x0], $0xffff;
	_ =	sdelay $0x2  }
0x6c: {  	v13 =	vor.u32 s15, v2;
	s15 =	sadd.s32 $0x1, s15  }
0x6d: {  	_ =	sdelay $0x3  }
0x6e: {  	v13 =	vld.idx.msk [tilespmem:v13+s12+$0x0], $0xffff;
	_ =	sdelay $0x5  }
0x6f: {  	v14 =	vld.idx.msk [tilespmem:v10+s2+$0x0], $0xffff  }
0x70: {  	v10 =	vld.idx.msk [tilespmem:v10+s10+$0x0], $0xffff  }
0x71: {  	v15 =	vld.idx.msk [tilespmem:v13+s2+$0x0], $0xffff  }
0x72: {  	v11 =	vadd.f32 v12, v11  }
0x73: {  	v12 =	vld.idx.msk [tilespmem:v13+s10+$0x0], $0xffff  }
0x74: {  	v8 =	vadd.f32 v9, v8;
	v9 =	vadd.f32 v14, v11  }
0x75: {  	v11 =	vld [tilespmem:$0x2020]  }
0x76: {  	v8 =	vadd.f32 v10, v8;
	v9 =	vadd.f32 v15, v9;
	_ =	sdelay $0x1  }
0x77: {  	v8 =	vadd.f32 v12, v8;
	v9 =	vmul.f32 $3.125000000e-02, v9;
	_ =	sdelay $0x1  }
0x78: {  	v8 =	vmul.f32 $3.125000000e-02, v8;
	v9 =	vmul.f32 v11, v9;
	_ =	sdelay $0x1  }
0x79: {  	v8 =	vsub.f32 v9, v8  }
0x7a: {  	s15 =	simm.s32 $0x0  }
0x7b: {  	v9 =	vor.u32 s15, v3;
	vm0 =	veq.f32 v8, $+Inf  }
0x7c: {  	v8 =	vsel vm0, $0x447A0000, v8  }
0x7d: {  	vm0 =	veq.f32 v8, $-Inf  }
0x7e: {  	v8 =	vsel vm0, $0x0, v8  }
0x7f: {  	[tilespmem:$0x30A0] =	vst v8  }
0x80: {  	v11 =	vld.idx.msk [tilespmem:v9+s12+$0x0], $0xffff  }
0x81: {  	s30 =	simm.s32 $0x1  }
0x82: {  	v8 =	vor.u32 s30, v3;
	_ =	sdelay $0x4  }
0x83: {  	v10 =	vld.idx.msk [tilespmem:v8+s12+$0x0], $0xffff  }
0x84: {  	v9 =	vld.idx.msk [tilespmem:v11+s10+$0x0], $0xffff;
	_ =	sdelay $0x1  }
0x85: {  	v12 =	vld.idx.msk [tilespmem:v11+s2+$0x0], $0xffff  }
0x86: {  	s31 =	simm.s32 $0x2  }
0x87: {  	v13 =	vor.u32 s31, v3;
	s15 =	simm.s32 $0x3;
	v8 =	vimm.f32 $0.0e+00;
	v11 =	vimm.f32 $0.0e+00  }
.LBB2_8:
0x88: {  	p0 =	sne.s32 s15, $0x1F;
	v8 =	vadd.f32 v9, v8;
	v14 =	vmov v10;
	_ =	sdelay $0x1  }
0x89: {  	v11 =	vadd.f32 v12, v11  }
0x8a: {  	v9 =	vld.idx.msk [tilespmem:v10+s10+$0x0], $0xffff  }
.Ltmp3:
0x8b: {  	v10 =	vld.idx.msk [tilespmem:v13+s12+$0x0], $0xffff;
	(pc) =	sbr.rel @p0 .LBB2_8-.Ltmp3, $2  }
0x8c: {  	v12 =	vld.idx.msk [tilespmem:v14+s2+$0x0], $0xffff;
	_ =	sdelay $0x2  }
0x8d: {  	v13 =	vor.u32 s15, v3;
	s15 =	sadd.s32 $0x1, s15  }
0x8e: {  	_ =	sdelay $0x3  }
0x8f: {  	v13 =	vld.idx.msk [tilespmem:v13+s12+$0x0], $0xffff;
	_ =	sdelay $0x5  }
0x90: {  	v14 =	vld.idx.msk [tilespmem:v10+s2+$0x0], $0xffff  }
0x91: {  	v10 =	vld.idx.msk [tilespmem:v10+s10+$0x0], $0xffff  }
0x92: {  	v15 =	vld.idx.msk [tilespmem:v13+s2+$0x0], $0xffff  }
0x93: {  	v11 =	vadd.f32 v12, v11  }
0x94: {  	v12 =	vld.idx.msk [tilespmem:v13+s10+$0x0], $0xffff  }
0x95: {  	v8 =	vadd.f32 v9, v8;
	v9 =	vadd.f32 v14, v11  }
0x96: {  	v11 =	vld [tilespmem:$0x2030]  }
0x97: {  	v8 =	vadd.f32 v10, v8;
	v9 =	vadd.f32 v15, v9;
	_ =	sdelay $0x1  }
0x98: {  	v8 =	vadd.f32 v12, v8;
	v9 =	vmul.f32 $3.125000000e-02, v9;
	_ =	sdelay $0x1  }
0x99: {  	v8 =	vmul.f32 $3.125000000e-02, v8;
	v9 =	vmul.f32 v11, v9;
	_ =	sdelay $0x1  }
0x9a: {  	v8 =	vsub.f32 v9, v8  }
0x9b: {  	s15 =	simm.s32 $0x0  }
0x9c: {  	v9 =	vor.u32 s15, v4;
	vm0 =	veq.f32 v8, $+Inf  }
0x9d: {  	v8 =	vsel vm0, $0x447A0000, v8  }
0x9e: {  	vm0 =	veq.f32 v8, $-Inf  }
0x9f: {  	v8 =	vsel vm0, $0x0, v8  }
0xa0: {  	[tilespmem:$0x30B0] =	vst v8  }
0xa1: {  	v11 =	vld.idx.msk [tilespmem:v9+s12+$0x0], $0xffff  }
0xa2: {  	s30 =	simm.s32 $0x1  }
0xa3: {  	v8 =	vor.u32 s30, v4;
	_ =	sdelay $0x4  }
0xa4: {  	v10 =	vld.idx.msk [tilespmem:v8+s12+$0x0], $0xffff  }
0xa5: {  	v9 =	vld.idx.msk [tilespmem:v11+s10+$0x0], $0xffff;
	_ =	sdelay $0x1  }
0xa6: {  	v12 =	vld.idx.msk [tilespmem:v11+s2+$0x0], $0xffff  }
0xa7: {  	s31 =	simm.s32 $0x2  }
0xa8: {  	v13 =	vor.u32 s31, v4;
	s15 =	simm.s32 $0x3;
	v8 =	vimm.f32 $0.0e+00;
	v11 =	vimm.f32 $0.0e+00  }
.LBB2_10:
0xa9: {  	p0 =	sne.s32 s15, $0x1F;
	v8 =	vadd.f32 v9, v8;
	v14 =	vmov v10;
	_ =	sdelay $0x1  }
0xaa: {  	v11 =	vadd.f32 v12, v11  }
0xab: {  	v9 =	vld.idx.msk [tilespmem:v10+s10+$0x0], $0xffff  }
.Ltmp4:
0xac: {  	v10 =	vld.idx.msk [tilespmem:v13+s12+$0x0], $0xffff;
	(pc) =	sbr.rel @p0 .LBB2_10-.Ltmp4, $2  }
0xad: {  	v12 =	vld.idx.msk [tilespmem:v14+s2+$0x0], $0xffff;
	_ =	sdelay $0x2  }
0xae: {  	v13 =	vor.u32 s15, v4;
	s15 =	sadd.s32 $0x1, s15  }
0xaf: {  	_ =	sdelay $0x3  }
0xb0: {  	v13 =	vld.idx.msk [tilespmem:v13+s12+$0x0], $0xffff;
	_ =	sdelay $0x5  }
0xb1: {  	v14 =	vld.idx.msk [tilespmem:v10+s2+$0x0], $0xffff  }
0xb2: {  	v10 =	vld.idx.msk [tilespmem:v10+s10+$0x0], $0xffff  }
0xb3: {  	v15 =	vld.idx.msk [tilespmem:v13+s2+$0x0], $0xffff  }
0xb4: {  	v11 =	vadd.f32 v12, v11  }
0xb5: {  	v12 =	vld.idx.msk [tilespmem:v13+s10+$0x0], $0xffff  }
0xb6: {  	v8 =	vadd.f32 v9, v8;
	v9 =	vadd.f32 v14, v11  }
0xb7: {  	v11 =	vld [tilespmem:$0x2040]  }
0xb8: {  	v8 =	vadd.f32 v10, v8;
	v9 =	vadd.f32 v15, v9;
	_ =	sdelay $0x1  }
0xb9: {  	v8 =	vadd.f32 v12, v8;
	v9 =	vmul.f32 $3.125000000e-02, v9;
	_ =	sdelay $0x1  }
0xba: {  	v8 =	vmul.f32 $3.125000000e-02, v8;
	v9 =	vmul.f32 v11, v9;
	_ =	sdelay $0x1  }
0xbb: {  	v8 =	vsub.f32 v9, v8  }
0xbc: {  	s15 =	simm.s32 $0x0  }
0xbd: {  	v9 =	vor.u32 s15, v5;
	vm0 =	veq.f32 v8, $+Inf  }
0xbe: {  	v8 =	vsel vm0, $0x447A0000, v8  }
0xbf: {  	vm0 =	veq.f32 v8, $-Inf  }
0xc0: {  	v8 =	vsel vm0, $0x0, v8  }
0xc1: {  	[tilespmem:$0x30C0] =	vst v8  }
0xc2: {  	v11 =	vld.idx.msk [tilespmem:v9+s12+$0x0], $0xffff  }
0xc3: {  	s30 =	simm.s32 $0x1  }
0xc4: {  	v8 =	vor.u32 s30, v5;
	_ =	sdelay $0x4  }
0xc5: {  	v10 =	vld.idx.msk [tilespmem:v8+s12+$0x0], $0xffff  }
0xc6: {  	v9 =	vld.idx.msk [tilespmem:v11+s10+$0x0], $0xffff;
	_ =	sdelay $0x1  }
0xc7: {  	v12 =	vld.idx.msk [tilespmem:v11+s2+$0x0], $0xffff  }
0xc8: {  	s31 =	simm.s32 $0x2  }
0xc9: {  	v13 =	vor.u32 s31, v5;
	s15 =	simm.s32 $0x3;
	v8 =	vimm.f32 $0.0e+00;
	v11 =	vimm.f32 $0.0e+00  }
.LBB2_12:
0xca: {  	p0 =	sne.s32 s15, $0x1F;
	v8 =	vadd.f32 v9, v8;
	v14 =	vmov v10;
	_ =	sdelay $0x1  }
0xcb: {  	v11 =	vadd.f32 v12, v11  }
0xcc: {  	v9 =	vld.idx.msk [tilespmem:v10+s10+$0x0], $0xffff  }
.Ltmp5:
0xcd: {  	v10 =	vld.idx.msk [tilespmem:v13+s12+$0x0], $0xffff;
	(pc) =	sbr.rel @p0 .LBB2_12-.Ltmp5, $2  }
0xce: {  	v12 =	vld.idx.msk [tilespmem:v14+s2+$0x0], $0xffff;
	_ =	sdelay $0x2  }
0xcf: {  	v13 =	vor.u32 s15, v5;
	s15 =	sadd.s32 $0x1, s15  }
0xd0: {  	_ =	sdelay $0x3  }
0xd1: {  	v13 =	vld.idx.msk [tilespmem:v13+s12+$0x0], $0xffff;
	_ =	sdelay $0x5  }
0xd2: {  	v14 =	vld.idx.msk [tilespmem:v10+s2+$0x0], $0xffff  }
0xd3: {  	v10 =	vld.idx.msk [tilespmem:v10+s10+$0x0], $0xffff  }
0xd4: {  	v15 =	vld.idx.msk [tilespmem:v13+s2+$0x0], $0xffff  }
0xd5: {  	v11 =	vadd.f32 v12, v11  }
0xd6: {  	v12 =	vld.idx.msk [tilespmem:v13+s10+$0x0], $0xffff  }
0xd7: {  	v8 =	vadd.f32 v9, v8;
	v9 =	vadd.f32 v14, v11  }
0xd8: {  	v11 =	vld [tilespmem:$0x2050]  }
0xd9: {  	v8 =	vadd.f32 v10, v8;
	v9 =	vadd.f32 v15, v9;
	_ =	sdelay $0x1  }
0xda: {  	v8 =	vadd.f32 v12, v8;
	v9 =	vmul.f32 $3.125000000e-02, v9;
	_ =	sdelay $0x1  }
0xdb: {  	v8 =	vmul.f32 $3.125000000e-02, v8;
	v9 =	vmul.f32 v11, v9;
	_ =	sdelay $0x1  }
0xdc: {  	v8 =	vsub.f32 v9, v8  }
0xdd: {  	s15 =	simm.s32 $0x0  }
0xde: {  	v9 =	vor.u32 s15, v6;
	vm0 =	veq.f32 v8, $+Inf  }
0xdf: {  	v8 =	vsel vm0, $0x447A0000, v8  }
0xe0: {  	vm0 =	veq.f32 v8, $-Inf  }
0xe1: {  	v8 =	vsel vm0, $0x0, v8  }
0xe2: {  	[tilespmem:$0x30D0] =	vst v8  }
0xe3: {  	v11 =	vld.idx.msk [tilespmem:v9+s12+$0x0], $0xffff  }
0xe4: {  	s30 =	simm.s32 $0x1  }
0xe5: {  	v8 =	vor.u32 s30, v6;
	_ =	sdelay $0x4  }
0xe6: {  	v10 =	vld.idx.msk [tilespmem:v8+s12+$0x0], $0xffff  }
0xe7: {  	v9 =	vld.idx.msk [tilespmem:v11+s10+$0x0], $0xffff;
	_ =	sdelay $0x1  }
0xe8: {  	v12 =	vld.idx.msk [tilespmem:v11+s2+$0x0], $0xffff  }
0xe9: {  	s31 =	simm.s32 $0x2  }
0xea: {  	v13 =	vor.u32 s31, v6;
	s15 =	simm.s32 $0x3;
	v8 =	vimm.f32 $0.0e+00;
	v11 =	vimm.f32 $0.0e+00  }
.LBB2_14:
0xeb: {  	p0 =	sne.s32 s15, $0x1F;
	v8 =	vadd.f32 v9, v8;
	v14 =	vmov v10;
	_ =	sdelay $0x1  }
0xec: {  	v11 =	vadd.f32 v12, v11  }
0xed: {  	v9 =	vld.idx.msk [tilespmem:v10+s10+$0x0], $0xffff  }
.Ltmp6:
0xee: {  	v10 =	vld.idx.msk [tilespmem:v13+s12+$0x0], $0xffff;
	(pc) =	sbr.rel @p0 .LBB2_14-.Ltmp6, $2  }
0xef: {  	v12 =	vld.idx.msk [tilespmem:v14+s2+$0x0], $0xffff;
	_ =	sdelay $0x2  }
0xf0: {  	v13 =	vor.u32 s15, v6;
	s15 =	sadd.s32 $0x1, s15  }
0xf1: {  	_ =	sdelay $0x3  }
0xf2: {  	v13 =	vld.idx.msk [tilespmem:v13+s12+$0x0], $0xffff;
	_ =	sdelay $0x5  }
0xf3: {  	v14 =	vld.idx.msk [tilespmem:v10+s2+$0x0], $0xffff  }
0xf4: {  	v10 =	vld.idx.msk [tilespmem:v10+s10+$0x0], $0xffff  }
0xf5: {  	v15 =	vld.idx.msk [tilespmem:v13+s2+$0x0], $0xffff  }
0xf6: {  	v11 =	vadd.f32 v12, v11  }
0xf7: {  	v12 =	vld.idx.msk [tilespmem:v13+s10+$0x0], $0xffff  }
0xf8: {  	v8 =	vadd.f32 v9, v8;
	v9 =	vadd.f32 v14, v11  }
0xf9: {  	v11 =	vld [tilespmem:$0x2060]  }
0xfa: {  	v8 =	vadd.f32 v10, v8;
	v9 =	vadd.f32 v15, v9;
	_ =	sdelay $0x1  }
0xfb: {  	v8 =	vadd.f32 v12, v8;
	v9 =	vmul.f32 $3.125000000e-02, v9;
	_ =	sdelay $0x1  }
0xfc: {  	v8 =	vmul.f32 $3.125000000e-02, v8;
	v9 =	vmul.f32 v11, v9;
	_ =	sdelay $0x1  }
0xfd: {  	v8 =	vsub.f32 v9, v8  }
0xfe: {  	s15 =	simm.s32 $0x0  }
0xff: {  	v9 =	vor.u32 s15, v7;
	vm0 =	veq.f32 v8, $+Inf  }
0x100: {  	v8 =	vsel vm0, $0x447A0000, v8  }
0x101: {  	vm0 =	veq.f32 v8, $-Inf  }
0x102: {  	v8 =	vsel vm0, $0x0, v8  }
0x103: {  	[tilespmem:$0x30E0] =	vst v8  }
0x104: {  	v11 =	vld.idx.msk [tilespmem:v9+s12+$0x0], $0xffff  }
0x105: {  	s30 =	simm.s32 $0x1  }
0x106: {  	v8 =	vor.u32 s30, v7;
	_ =	sdelay $0x4  }
0x107: {  	v10 =	vld.idx.msk [tilespmem:v8+s12+$0x0], $0xffff  }
0x108: {  	v9 =	vld.idx.msk [tilespmem:v11+s10+$0x0], $0xffff;
	_ =	sdelay $0x1  }
0x109: {  	v12 =	vld.idx.msk [tilespmem:v11+s2+$0x0], $0xffff  }
0x10a: {  	s31 =	simm.s32 $0x2  }
0x10b: {  	v13 =	vor.u32 s31, v7;
	s15 =	simm.s32 $0x3;
	v8 =	vimm.f32 $0.0e+00;
	v11 =	vimm.f32 $0.0e+00  }
.LBB2_16:
0x10c: {  	p0 =	sne.s32 s15, $0x1F;
	v8 =	vadd.f32 v9, v8;
	v14 =	vmov v10;
	_ =	sdelay $0x1  }
0x10d: {  	v11 =	vadd.f32 v12, v11  }
0x10e: {  	v9 =	vld.idx.msk [tilespmem:v10+s10+$0x0], $0xffff  }
.Ltmp7:
0x10f: {  	v10 =	vld.idx.msk [tilespmem:v13+s12+$0x0], $0xffff;
	(pc) =	sbr.rel @p0 .LBB2_16-.Ltmp7, $2  }
0x110: {  	v12 =	vld.idx.msk [tilespmem:v14+s2+$0x0], $0xffff;
	_ =	sdelay $0x2  }
0x111: {  	v13 =	vor.u32 s15, v7;
	s15 =	sadd.s32 $0x1, s15  }
0x112: {  	_ =	sdelay $0x3  }
0x113: {  	v13 =	vld.idx.msk [tilespmem:v13+s12+$0x0], $0xffff;
	_ =	sdelay $0x5  }
0x114: {  	v14 =	vld.idx.msk [tilespmem:v10+s2+$0x0], $0xffff  }
0x115: {  	v60 =	vld.idx.msk [tilespmem:v10+s10+$0x0], $0xffff  }
0x116: {  	v15 =	vld.idx.msk [tilespmem:v13+s2+$0x0], $0xffff  }
0x117: {  	v11 =	vadd.f32 v12, v11  }
0x118: {  	v61 =	vld.idx.msk [tilespmem:v13+s10+$0x0], $0xffff  }
0x119: {  	v8 =	vadd.f32 v9, v8;
	v62 =	vadd.f32 v14, v11  }
0x11a: {  	v63 =	vld [tilespmem:$0x2070]  }
0x11b: {  	v8 =	vadd.f32 v60, v8;
	v9 =	vadd.f32 v15, v62;
	_ =	sdelay $0x1  }
0x11c: {  	v8 =	vadd.f32 v61, v8;
	v9 =	vmul.f32 $3.125000000e-02, v9;
	_ =	sdelay $0x1  }
0x11d: {  	v8 =	vmul.f32 $3.125000000e-02, v8;
	v9 =	vmul.f32 v63, v9;
	_ =	sdelay $0x1  }
0x11e: {  	v8 =	vsub.f32 v9, v8;
	_ =	sdelay $0x1  }
0x11f: {  	vm0 =	veq.f32 v8, $+Inf  }
0x120: {  	v8 =	vsel vm0, $0x447A0000, v8  }
0x121: {  	s14 =	sadd.s32 $0x1, s14;
	vm0 =	veq.f32 v8, $-Inf  }
0x122: {  	p0 =	sne.s32 s14, s8;
	v8 =	vsel vm0, $0x0, v8  }
.Ltmp8:
0x123: {  	[tilespmem:$0x30F0] =	vst v8;
	(pc) =	sbr.rel @p0 .LBB2_1-.Ltmp8, $4  }
0x124: {  	[hbm4b:s7+s2] =	stream.linear.scatter [tilespmem:s13], [sflag:$0x1], $0x80, $0x38;
	[tilespmem:$0x3100] =	vst v63  }
0x125: {  	_ =	swait.ge [sflag:s9], $0x80  }
0x126: {  	[sflag:s9] =	ssyncset.done $0x0  }
0x127: {  	[sflag:s9] =	ssyncadd.s32 $0xFFFFFF80  }
0x128: {  	_ =	sfence.sel $0x180000  }
0x129: {  	[bflag:$0x0] =	sbarrier.arrive $0xFFFF  }
0x12a: {  	p0 =	sne.s32 s1, $0x0;
	_ =	strace $0x90000047  }
0x12b: {  	s0 =	sadd.s32 @!p0 $0x100000, s0;
	[bflag:$0x2] =	sbarrier.arrive $0xFFFF  }
0x12c: {  	[sflag:s0] =	ssyncadd.tile.s32 @!p0 $0x1;
	_ =	shalt  }
.Lfunc_end2:
_tile_overlayer_lowered:
.L_overlay_start_2:
0x12d: {  	(tag) =	ssettag $0x2  }
0x12e: {  	s0 =	rddreg [dreg:$0x0];
	s2 =	stileid.u32  }
0x12f: {  	s1 =	rddreg [dreg:$0x1];
	p0 =	sne.s32 s2, $0x0  }
0x130: {  	s3 =	rddreg [dreg:$0x2];
	[bflag:$0x3] =	sbarrier.arrive $0xFFFF;
	s2 =	simm.s32 @!p0 $0x1C01  }
0x131: {  	[timem:s3], [sflag:s2] =	dma.local @!p0 [hbm:s0], s1  }
0x132: {  	s0 =	simm.s32 @!p0 $0x1  }
0x133: {  	_ =	swait.ge @!p0 [sflag:s0], s1  }
0x134: {  	s1 =	ssub.s32 @!p0 $0x0, s1;
	[sflag:s0] =	ssyncset.done @!p0 $0x0  }
0x135: {  	[sflag:s0] =	ssyncadd.s32 @!p0 s1  }
0x136: {  	[bflag:$0x3] =	sbarrier.arrive $0xFFFF  }
0x137: {  	_ =	shalt  }

</sc_bundles>
